<compile_context>
chip_gen: v7x
topology: tpu7x:2x2x1
jax: 0.10.2.dev20260603
libtpu: 0.0.44.dev20260713+nightly
codegen_flags: <defaults>
</compile_context>

<pallas_src>
import functools

import jax
import jax.numpy as jnp
from jax import lax
from jax.experimental import pallas as pl
from jax.experimental.pallas import tpu as pltpu
from jax.experimental.pallas import tpu_sc as plsc

_LANES = 16


def _node_table_body(x_ref, wx_ref, bx_ref, y_ref, w2_ref, bw_ref, out_ref):
    d = x_ref.shape[1]
    h = jnp.maximum(
        jnp.dot(x_ref[...], wx_ref[...],
                preferred_element_type=jnp.float32) + bx_ref[...],
        0.0)
    w2 = w2_ref[...]
    dims = (((1,), (1,)), ((), ()))
    ab = (lax.dot_general(h, w2[:, :d], dims,
                          preferred_element_type=jnp.float32)
          + lax.dot_general(y_ref[...], w2[:, d:], dims,
                            preferred_element_type=jnp.float32))
    bias = jnp.concatenate(
        [bw_ref[...], jnp.zeros((1, 1), jnp.float32)], axis=1)
    out_ref[...] = ab + bias


def _node_tables(x, W_x, b_x, y_prob, W2, b_w):
    n, d = x.shape
    c = y_prob.shape[1]
    bn = n
    for cand in (5000, 2000, 1000, 500, 200, 100, 50, 10, 8):
        if n % cand == 0 and cand % 8 == 0:
            bn = cand
            break
    return pl.pallas_call(
        _node_table_body,
        grid=(n // bn,),
        in_specs=[
            pl.BlockSpec((bn, d), lambda i: (i, 0)),
            pl.BlockSpec((d, d), lambda i: (0, 0)),
            pl.BlockSpec((1, d), lambda i: (0, 0)),
            pl.BlockSpec((bn, c), lambda i: (i, 0)),
            pl.BlockSpec((2, d + c), lambda i: (0, 0)),
            pl.BlockSpec((1, 1), lambda i: (0, 0)),
        ],
        out_specs=pl.BlockSpec((bn, 2), lambda i: (i, 0)),
        out_shape=jax.ShapeDtypeStruct((n, 2), jnp.float32),
    )(x, W_x, b_x.reshape(1, d), y_prob, W2, b_w.reshape(1, 1))


def _make_edge_kernel(n2, e_pad, stride, n_workers, chunk):
    mesh = plsc.VectorSubcoreMesh(core_axis_name="c", subcore_axis_name="s")
    info = plsc.get_sparse_core_info()
    n_cores = info.num_cores

    @functools.partial(
        pl.kernel,
        mesh=mesh,
        compiler_params=pltpu.CompilerParams(needs_layout_passes=False),
        out_type=jax.ShapeDtypeStruct((e_pad,), jnp.float32),
        scratch_types=[
            pltpu.VMEM((n2,), jnp.float32),
            pltpu.VMEM((chunk,), jnp.int32),
            pltpu.VMEM((chunk,), jnp.int32),
            pltpu.VMEM((chunk,), jnp.float32),
            pltpu.SemaphoreType.DMA,
        ],
    )
    def edge_kernel(ab_hbm, ei_hbm, out_hbm, ab_v, src_v, tgt_v, out_v, sem):
        wid = lax.axis_index("s") * n_cores + lax.axis_index("c")
        base = wid * chunk
        cp_ab = pltpu.async_copy(ab_hbm, ab_v, sem)
        cp_src = pltpu.async_copy(ei_hbm.at[pl.ds(base, chunk)], src_v, sem)
        cp_tgt = pltpu.async_copy(
            ei_hbm.at[pl.ds(stride + base, chunk)], tgt_v, sem)
        cp_ab.wait()
        cp_src.wait()
        cp_tgt.wait()

        def edge_group(off):
            si = src_v[pl.ds(off, _LANES)]
            ti = tgt_v[pl.ds(off, _LANES)]
            a = plsc.load_gather(ab_v, [si * 2])
            b = plsc.load_gather(ab_v, [ti * 2 + 1])
            logit = a + b
            out_v[pl.ds(off, _LANES)] = 1.0 / (1.0 + jnp.exp(-logit))

        half = (chunk // 2) // _LANES * _LANES
        plsc.parallel_loop(0, half, step=_LANES, unroll=8)(edge_group)
        cp_out = pltpu.async_copy(
            out_v.at[pl.ds(0, half)], out_hbm.at[pl.ds(base, half)], sem)
        plsc.parallel_loop(half, chunk, step=_LANES, unroll=8)(edge_group)
        cp_out.wait()
        pltpu.sync_copy(out_v.at[pl.ds(half, chunk - half)],
                        out_hbm.at[pl.ds(base + half, chunk - half)])

    return edge_kernel


def kernel(x, edge_index_train, y_prob, W_x, b_x, W_w, b_w):
    n, d = x.shape
    c = y_prob.shape[1]
    e = edge_index_train.shape[1]

    W2 = W_w.reshape(2, d + c)
    ab = _node_tables(x, W_x, b_x, y_prob, W2, b_w)
    ab_flat = ab.reshape(2 * n)

    info = plsc.get_sparse_core_info()
    n_workers = info.num_cores * info.num_subcores
    align = n_workers * _LANES
    e_pad = ((e + align - 1) // align) * align
    chunk = e_pad // n_workers

    if edge_index_train.dtype != jnp.int32:
        edge_index_train = edge_index_train.astype(jnp.int32)
    if e_pad == e:
        ei_flat = edge_index_train.reshape(2 * e)
        stride = e
    else:
        pad = ((0, 0), (0, e_pad - e))
        ei_flat = jnp.pad(edge_index_train, pad).reshape(2 * e_pad)
        stride = e_pad

    probs = _make_edge_kernel(2 * n, e_pad, stride, n_workers, chunk)(
        ab_flat, ei_flat)
    return probs[:e].reshape(e, 1)

# --- scband reference (transcript-rebuilt; emitter-appended) ---
"""Pipeline reference for scband-pgmodel-67542655696994 (READ-ONLY COPY).

The authoritative reference and input builder live on the scoring server;
editing this copy changes nothing except your own understanding.
"""

import jax, jax.numpy as jnp
import numpy as np

N = 10000
E = 320000
D_IN = 128
D_HID = 128
N_CLASS = 40

def setup_inputs(seed: int = 0) -> dict:
    key = jax.random.key(seed)
    k_x, k_e, k_y, k_w1, k_b1, k_w2, k_b2 = jax.random.split(key, 7)
    x = jax.random.normal(k_x, (N, D_IN), dtype=jnp.float32)
    edge_index_train = jax.random.randint(k_e, (2, E), 0, N, dtype=jnp.int64)
    y_prob = jax.random.uniform(k_y, (N, N_CLASS), dtype=jnp.float32)
    # x_trans: nn.Linear(input_dim, hidden_dim)
    lim1 = 1.0 / np.sqrt(D_IN)
    W_x = jax.random.uniform(k_w1, (D_IN, D_HID), minval=-lim1, maxval=lim1, dtype=jnp.float32)
    b_x = jax.random.uniform(k_b1, (D_HID,), minval=-lim1, maxval=lim1, dtype=jnp.float32)
    # w: nn.Linear(2*(hidden_dim+num_class), 1)
    d_cat = 2 * (D_HID + N_CLASS)
    lim2 = 1.0 / np.sqrt(d_cat)
    W_w = jax.random.uniform(k_w2, (d_cat, 1), minval=-lim2, maxval=lim2, dtype=jnp.float32)
    b_w = jax.random.uniform(k_b2, (1,), minval=-lim2, maxval=lim2, dtype=jnp.float32)
    return {"x": x, "edge_index_train": edge_index_train, "y_prob": y_prob,
            "W_x": W_x, "b_x": b_x, "W_w": W_w, "b_w": b_w}

def reference(x, edge_index_train, y_prob, W_x, b_x, W_w, b_w):
    # eval mode: F.dropout(training=False) is identity
    x_trans = jax.nn.relu(x @ W_x + b_x)
    source = edge_index_train[0]
    target = edge_index_train[1]
    # F.embedding(idx, table) == gather rows
    x_source = jnp.take(x_trans, source, axis=0)
    y_source = jnp.take(y_prob, source, axis=0)
    x_target = jnp.take(x_trans, target, axis=0)
    y_target = jnp.take(y_prob, target, axis=0)
    xy = jnp.concatenate([x_source, y_source, x_target, y_target], axis=1)
    edge_prob = jax.nn.sigmoid(xy @ W_w + b_w)
    return edge_prob

if __name__ == "__main__":
    import jax
    _d = setup_inputs()
    print(jax.jit(kernel)(*tuple(_d.values())))

</pallas_src>

<mosaic_0001>
#map = affine_map<(d0, d1) -> (0)>
module attributes {stable_mosaic.version = 14 : i64} {
  func.func @edge_kernel(%arg0: i32, %arg1: i32, %arg2: memref<20000xf32, #tpu.memory_space<hbm>>, %arg3: memref<640000xi32, #tpu.memory_space<hbm>>, %arg4: memref<320000xf32, #tpu.memory_space<hbm>>, %arg5: memref<20000xf32, #tpu.memory_space<vmem>>, %arg6: memref<10000xi32, #tpu.memory_space<vmem>>, %arg7: memref<10000xi32, #tpu.memory_space<vmem>>, %arg8: memref<10000xf32, #tpu.memory_space<vmem>>, %arg9: memref<!tpu.dma_semaphore, #tpu.memory_space<semaphore_mem>>) attributes {dimension_semantics = [#tpu.dimension_semantics<core_parallel>, #tpu.dimension_semantics<subcore_parallel>], iteration_bounds = array<i64: 2, 16>, scalar_prefetch = 0 : i64, scratch_operands = 5 : i64, tpu.core_type = #tpu.core_type<sc_vector_subcore>, window_params = [{transform_indices = #map}, {transform_indices = #map}, {transform_indices = #map}]} {
    %mul3A = arith.constant 2 : i32
    %mul3A_0 = arith.muli %arg1, %mul3A : i32
    %add3A = arith.addi %mul3A_0, %arg0 : i32
    %mul3A_1 = arith.constant 10000 : i32
    %mul3A_2 = arith.muli %add3A, %mul3A_1 : i32
    tpu.enqueue_dma source(%arg2 : memref<20000xf32, #tpu.memory_space<hbm>>) target(%arg5 : memref<20000xf32, #tpu.memory_space<vmem>>) target_semaphore(%arg9 : memref<!tpu.dma_semaphore, #tpu.memory_space<semaphore_mem>>)
    %dma_start3A = tpu.memref_slice %arg3[%mul3A_2] : memref<640000xi32, #tpu.memory_space<hbm>> -> memref<10000xi32, #tpu.memory_space<hbm>>
    %dma_start3A_3 = tpu.memref_slice %arg3[%mul3A_2] : memref<640000xi32, #tpu.memory_space<hbm>> -> memref<10000xi32, #tpu.memory_space<hbm>>
    tpu.enqueue_dma source(%dma_start3A_3 : memref<10000xi32, #tpu.memory_space<hbm>>) target(%arg6 : memref<10000xi32, #tpu.memory_space<vmem>>) target_semaphore(%arg9 : memref<!tpu.dma_semaphore, #tpu.memory_space<semaphore_mem>>)
    %add3A_4 = arith.constant 320000 : i32
    %add3A_5 = arith.addi %add3A_4, %mul3A_2 : i32
    %dma_start3A_6 = tpu.memref_slice %arg3[%add3A_5] : memref<640000xi32, #tpu.memory_space<hbm>> -> memref<10000xi32, #tpu.memory_space<hbm>>
    %dma_start3A_7 = tpu.memref_slice %arg3[%add3A_5] : memref<640000xi32, #tpu.memory_space<hbm>> -> memref<10000xi32, #tpu.memory_space<hbm>>
    tpu.enqueue_dma source(%dma_start3A_7 : memref<10000xi32, #tpu.memory_space<hbm>>) target(%arg7 : memref<10000xi32, #tpu.memory_space<vmem>>) target_semaphore(%arg9 : memref<!tpu.dma_semaphore, #tpu.memory_space<semaphore_mem>>)
    tpu.wait_dma2 semaphore(%arg9 : memref<!tpu.dma_semaphore, #tpu.memory_space<semaphore_mem>>) src(%arg2 : memref<20000xf32, #tpu.memory_space<hbm>>) dst(%arg5 : memref<20000xf32, #tpu.memory_space<vmem>>)
    %dma_wait3A = tpu.memref_slice %arg3[%mul3A_2] : memref<640000xi32, #tpu.memory_space<hbm>> -> memref<10000xi32, #tpu.memory_space<hbm>>
    %dma_wait3A_8 = tpu.memref_slice %arg3[%mul3A_2] : memref<640000xi32, #tpu.memory_space<hbm>> -> memref<10000xi32, #tpu.memory_space<hbm>>
    tpu.wait_dma2 semaphore(%arg9 : memref<!tpu.dma_semaphore, #tpu.memory_space<semaphore_mem>>) src(%dma_wait3A_8 : memref<10000xi32, #tpu.memory_space<hbm>>) dst(%arg6 : memref<10000xi32, #tpu.memory_space<vmem>>)
    %dma_wait3A_9 = tpu.memref_slice %arg3[%add3A_5] : memref<640000xi32, #tpu.memory_space<hbm>> -> memref<10000xi32, #tpu.memory_space<hbm>>
    %dma_wait3A_10 = tpu.memref_slice %arg3[%add3A_5] : memref<640000xi32, #tpu.memory_space<hbm>> -> memref<10000xi32, #tpu.memory_space<hbm>>
    tpu.wait_dma2 semaphore(%arg9 : memref<!tpu.dma_semaphore, #tpu.memory_space<semaphore_mem>>) src(%dma_wait3A_10 : memref<10000xi32, #tpu.memory_space<hbm>>) dst(%arg7 : memref<10000xi32, #tpu.memory_space<vmem>>)
    %parallel_loop3A = arith.constant 0 : i32
    %parallel_loop3A_11 = arith.constant 4992 : i32
    %parallel_loop3A_12 = arith.constant 16 : i32
    scf.for %parallel_loop3A_30 = %parallel_loop3A to %parallel_loop3A_11 step %parallel_loop3A_12  : i32 {
      %parallel_loop3A_31 = arith.index_cast %parallel_loop3A_30 : i32 to index
      %parallel_loop3A_32 = tpu.vector_load %arg6[%parallel_loop3A_31] {strides = array<i32>} : memref<10000xi32, #tpu.memory_space<vmem>>, vector<16xi32>,
      %parallel_loop3A_33 = arith.index_cast %parallel_loop3A_30 : i32 to index
      %parallel_loop3A_34 = tpu.vector_load %arg7[%parallel_loop3A_33] {strides = array<i32>} : memref<10000xi32, #tpu.memory_space<vmem>>, vector<16xi32>,
      %parallel_loop3A_35 = arith.constant 2 : i32
      %parallel_loop3A_36 = vector.broadcast %parallel_loop3A_35 : i32 to vector<16xi32>
      %parallel_loop3A_37 = arith.muli %parallel_loop3A_32, %parallel_loop3A_36 : vector<16xi32>
      %parallel_loop3A_38 = tpu.vector_load_idx %arg5[%parallel_loop3A_37] : memref<20000xf32, #tpu.memory_space<vmem>>[vector<16xi32>], vector<16xf32>,
      %parallel_loop3A_39 = arith.constant 2 : i32
      %parallel_loop3A_40 = vector.broadcast %parallel_loop3A_39 : i32 to vector<16xi32>
      %parallel_loop3A_41 = arith.muli %parallel_loop3A_34, %parallel_loop3A_40 : vector<16xi32>
      %parallel_loop3A_42 = arith.constant 1 : i32
      %parallel_loop3A_43 = vector.broadcast %parallel_loop3A_42 : i32 to vector<16xi32>
      %parallel_loop3A_44 = arith.addi %parallel_loop3A_41, %parallel_loop3A_43 : vector<16xi32>
      %parallel_loop3A_45 = tpu.vector_load_idx %arg5[%parallel_loop3A_44] : memref<20000xf32, #tpu.memory_space<vmem>>[vector<16xi32>], vector<16xf32>,
      %parallel_loop3A_46 = arith.addf %parallel_loop3A_38, %parallel_loop3A_45 : vector<16xf32>
      %parallel_loop3A_47 = arith.constant 0.000000e+00 : f32
      %parallel_loop3A_48 = vector.broadcast %parallel_loop3A_47 : f32 to vector<16xf32>
      %parallel_loop3A_49 = arith.subf %parallel_loop3A_48, %parallel_loop3A_46 : vector<16xf32>
      %parallel_loop3A_50 = math.exp %parallel_loop3A_49 : vector<16xf32>
      %parallel_loop3A_51 = arith.constant 1.000000e+00 : f32
      %parallel_loop3A_52 = vector.broadcast %parallel_loop3A_51 : f32 to vector<16xf32>
      %parallel_loop3A_53 = arith.addf %parallel_loop3A_52, %parallel_loop3A_50 : vector<16xf32>
      %parallel_loop3A_54 = arith.constant 1.000000e+00 : f32
      %parallel_loop3A_55 = vector.broadcast %parallel_loop3A_54 : f32 to vector<16xf32>
      %parallel_loop3A_56 = arith.divf %parallel_loop3A_55, %parallel_loop3A_53 : vector<16xf32>
      %parallel_loop3A_57 = arith.index_cast %parallel_loop3A_30 : i32 to index
      %parallel_loop3A_58 = tpu.vector_load %arg8[%parallel_loop3A_57] {strides = array<i32>} : memref<10000xf32, #tpu.memory_space<vmem>>, vector<16xf32>,
      tpu.vector_store %arg8[%parallel_loop3A_57], %parallel_loop3A_56 {strides = array<i32>} : memref<10000xf32, #tpu.memory_space<vmem>>, vector<16xf32>,
    } {sc.loop_unroll_factor = 8 : i64, sc.parallel_access}
    %dma_start3A_13 = arith.constant 0 : i32
    %dma_start3A_14 = tpu.memref_slice %arg8[%dma_start3A_13] : memref<10000xf32, #tpu.memory_space<vmem>> -> memref<4992xf32, #tpu.memory_space<vmem>>
    %dma_start3A_15 = tpu.memref_slice %arg4[%mul3A_2] : memref<320000xf32, #tpu.memory_space<hbm>> -> memref<4992xf32, #tpu.memory_space<hbm>>
    %dma_start3A_16 = tpu.memref_slice %arg4[%mul3A_2] : memref<320000xf32, #tpu.memory_space<hbm>> -> memref<4992xf32, #tpu.memory_space<hbm>>
    %dma_start3A_17 = arith.constant 0 : i32
    %dma_start3A_18 = tpu.memref_slice %arg8[%dma_start3A_17] : memref<10000xf32, #tpu.memory_space<vmem>> -> memref<4992xf32, #tpu.memory_space<vmem>>
    tpu.enqueue_dma source(%dma_start3A_18 : memref<4992xf32, #tpu.memory_space<vmem>>) target(%dma_start3A_16 : memref<4992xf32, #tpu.memory_space<hbm>>) target_semaphore(%arg9 : memref<!tpu.dma_semaphore, #tpu.memory_space<semaphore_mem>>)
    %parallel_loop3A_19 = arith.constant 4992 : i32
    %parallel_loop3A_20 = arith.constant 10000 : i32
    %parallel_loop3A_21 = arith.constant 16 : i32
    scf.for %parallel_loop3A_30 = %parallel_loop3A_19 to %parallel_loop3A_20 step %parallel_loop3A_21  : i32 {
      %parallel_loop3A_31 = arith.index_cast %parallel_loop3A_30 : i32 to index
      %parallel_loop3A_32 = tpu.vector_load %arg6[%parallel_loop3A_31] {strides = array<i32>} : memref<10000xi32, #tpu.memory_space<vmem>>, vector<16xi32>,
      %parallel_loop3A_33 = arith.index_cast %parallel_loop3A_30 : i32 to index
      %parallel_loop3A_34 = tpu.vector_load %arg7[%parallel_loop3A_33] {strides = array<i32>} : memref<10000xi32, #tpu.memory_space<vmem>>, vector<16xi32>,
      %parallel_loop3A_35 = arith.constant 2 : i32
      %parallel_loop3A_36 = vector.broadcast %parallel_loop3A_35 : i32 to vector<16xi32>
      %parallel_loop3A_37 = arith.muli %parallel_loop3A_32, %parallel_loop3A_36 : vector<16xi32>
      %parallel_loop3A_38 = tpu.vector_load_idx %arg5[%parallel_loop3A_37] : memref<20000xf32, #tpu.memory_space<vmem>>[vector<16xi32>], vector<16xf32>,
      %parallel_loop3A_39 = arith.constant 2 : i32
      %parallel_loop3A_40 = vector.broadcast %parallel_loop3A_39 : i32 to vector<16xi32>
      %parallel_loop3A_41 = arith.muli %parallel_loop3A_34, %parallel_loop3A_40 : vector<16xi32>
      %parallel_loop3A_42 = arith.constant 1 : i32
      %parallel_loop3A_43 = vector.broadcast %parallel_loop3A_42 : i32 to vector<16xi32>
      %parallel_loop3A_44 = arith.addi %parallel_loop3A_41, %parallel_loop3A_43 : vector<16xi32>
      %parallel_loop3A_45 = tpu.vector_load_idx %arg5[%parallel_loop3A_44] : memref<20000xf32, #tpu.memory_space<vmem>>[vector<16xi32>], vector<16xf32>,
      %parallel_loop3A_46 = arith.addf %parallel_loop3A_38, %parallel_loop3A_45 : vector<16xf32>
      %parallel_loop3A_47 = arith.constant 0.000000e+00 : f32
      %parallel_loop3A_48 = vector.broadcast %parallel_loop3A_47 : f32 to vector<16xf32>
      %parallel_loop3A_49 = arith.subf %parallel_loop3A_48, %parallel_loop3A_46 : vector<16xf32>
      %parallel_loop3A_50 = math.exp %parallel_loop3A_49 : vector<16xf32>
      %parallel_loop3A_51 = arith.constant 1.000000e+00 : f32
      %parallel_loop3A_52 = vector.broadcast %parallel_loop3A_51 : f32 to vector<16xf32>
      %parallel_loop3A_53 = arith.addf %parallel_loop3A_52, %parallel_loop3A_50 : vector<16xf32>
      %parallel_loop3A_54 = arith.constant 1.000000e+00 : f32
      %parallel_loop3A_55 = vector.broadcast %parallel_loop3A_54 : f32 to vector<16xf32>
      %parallel_loop3A_56 = arith.divf %parallel_loop3A_55, %parallel_loop3A_53 : vector<16xf32>
      %parallel_loop3A_57 = arith.index_cast %parallel_loop3A_30 : i32 to index
      %parallel_loop3A_58 = tpu.vector_load %arg8[%parallel_loop3A_57] {strides = array<i32>} : memref<10000xf32, #tpu.memory_space<vmem>>, vector<16xf32>,
      tpu.vector_store %arg8[%parallel_loop3A_57], %parallel_loop3A_56 {strides = array<i32>} : memref<10000xf32, #tpu.memory_space<vmem>>, vector<16xf32>,
    } {sc.loop_unroll_factor = 8 : i64, sc.parallel_access}
    %dma_wait3A_22 = arith.constant 0 : i32
    %dma_wait3A_23 = tpu.memref_slice %arg8[%dma_wait3A_22] : memref<10000xf32, #tpu.memory_space<vmem>> -> memref<4992xf32, #tpu.memory_space<vmem>>
    %dma_wait3A_24 = tpu.memref_slice %arg4[%mul3A_2] : memref<320000xf32, #tpu.memory_space<hbm>> -> memref<4992xf32, #tpu.memory_space<hbm>>
    %dma_wait3A_25 = tpu.memref_slice %arg4[%mul3A_2] : memref<320000xf32, #tpu.memory_space<hbm>> -> memref<4992xf32, #tpu.memory_space<hbm>>
    %dma_wait3A_26 = arith.constant 0 : i32
    %dma_wait3A_27 = tpu.memref_slice %arg8[%dma_wait3A_26] : memref<10000xf32, #tpu.memory_space<vmem>> -> memref<4992xf32, #tpu.memory_space<vmem>>
    tpu.wait_dma2 semaphore(%arg9 : memref<!tpu.dma_semaphore, #tpu.memory_space<semaphore_mem>>) src(%dma_wait3A_27 : memref<4992xf32, #tpu.memory_space<vmem>>) dst(%dma_wait3A_25 : memref<4992xf32, #tpu.memory_space<hbm>>)
    %add3A_28 = arith.constant 4992 : i32
    %add3A_29 = arith.addi %mul3A_2, %add3A_28 : i32
    "tpu.region"() ({
      %run_scoped3A = tpu.sem_alloc : memref<!tpu.dma_semaphore, #tpu.memory_space<semaphore_mem>>
      %dma_start3A_30 = arith.constant 4992 : i32
      %dma_start3A_31 = tpu.memref_slice %arg8[%dma_start3A_30] : memref<10000xf32, #tpu.memory_space<vmem>> -> memref<5008xf32, #tpu.memory_space<vmem>>
      %dma_start3A_32 = tpu.memref_slice %arg4[%add3A_29] : memref<320000xf32, #tpu.memory_space<hbm>> -> memref<5008xf32, #tpu.memory_space<hbm>>
      %dma_start3A_33 = tpu.memref_slice %arg4[%add3A_29] : memref<320000xf32, #tpu.memory_space<hbm>> -> memref<5008xf32, #tpu.memory_space<hbm>>
      %dma_start3A_34 = arith.constant 4992 : i32
      %dma_start3A_35 = tpu.memref_slice %arg8[%dma_start3A_34] : memref<10000xf32, #tpu.memory_space<vmem>> -> memref<5008xf32, #tpu.memory_space<vmem>>
      tpu.enqueue_dma source(%dma_start3A_35 : memref<5008xf32, #tpu.memory_space<vmem>>) target(%dma_start3A_33 : memref<5008xf32, #tpu.memory_space<hbm>>) target_semaphore(%run_scoped3A : memref<!tpu.dma_semaphore, #tpu.memory_space<semaphore_mem>>)
      %dma_wait3A_36 = arith.constant 4992 : i32
      %dma_wait3A_37 = tpu.memref_slice %arg8[%dma_wait3A_36] : memref<10000xf32, #tpu.memory_space<vmem>> -> memref<5008xf32, #tpu.memory_space<vmem>>
      %dma_wait3A_38 = tpu.memref_slice %arg4[%add3A_29] : memref<320000xf32, #tpu.memory_space<hbm>> -> memref<5008xf32, #tpu.memory_space<hbm>>
      %dma_wait3A_39 = tpu.memref_slice %arg4[%add3A_29] : memref<320000xf32, #tpu.memory_space<hbm>> -> memref<5008xf32, #tpu.memory_space<hbm>>
      %dma_wait3A_40 = arith.constant 4992 : i32
      %dma_wait3A_41 = tpu.memref_slice %arg8[%dma_wait3A_40] : memref<10000xf32, #tpu.memory_space<vmem>> -> memref<5008xf32, #tpu.memory_space<vmem>>
      tpu.wait_dma2 semaphore(%run_scoped3A : memref<!tpu.dma_semaphore, #tpu.memory_space<semaphore_mem>>) src(%dma_wait3A_41 : memref<5008xf32, #tpu.memory_space<vmem>>) dst(%dma_wait3A_39 : memref<5008xf32, #tpu.memory_space<hbm>>)
      tpu.yield
    }) : () -> ()
    return
  }
}

module attributes {stable_mosaic.version = 14 : i64} {
  func.func @_node_table_body(%arg0: i32, %arg1: memref<5000x128xf32, #tpu.memory_space<vmem>>, %arg2: memref<128x128xf32, #tpu.memory_space<vmem>>, %arg3: memref<1x128xf32, #tpu.memory_space<vmem>>, %arg4: memref<5000x40xf32, #tpu.memory_space<vmem>>, %arg5: memref<2x168xf32, #tpu.memory_space<vmem>>, %arg6: memref<1x1xf32, #tpu.memory_space<vmem>>, %arg7: memref<5000x2xf32, #tpu.memory_space<vmem>>) attributes {dimension_semantics = [#tpu.dimension_semantics<arbitrary>], iteration_bounds = array<i64: 2>, scalar_prefetch = 0 : i64, scratch_operands = 0 : i64, tpu.core_type = #tpu.core_type<tc>, window_params = [{transform_indices = @transform_0, window_bounds = array<i64: 5000, 128>}, {pipeline_mode = #tpu.pipeline_mode<synchronous>, transform_indices = @transform_1, window_bounds = array<i64: 128, 128>}, {pipeline_mode = #tpu.pipeline_mode<synchronous>, transform_indices = @transform_2, window_bounds = array<i64: 1, 128>}, {transform_indices = @transform_3, window_bounds = array<i64: 5000, 40>}, {pipeline_mode = #tpu.pipeline_mode<synchronous>, transform_indices = @transform_4, window_bounds = array<i64: 2, 168>}, {pipeline_mode = #tpu.pipeline_mode<synchronous>, transform_indices = @transform_5, window_bounds = array<i64: 1, 1>}, {transform_indices = @transform_6, window_bounds = array<i64: 5000, 2>}]} {
    %get3A = arith.constant 0 : index
    %get3A_0 = arith.constant 0 : index
    %get3A_1 = vector.load %arg1[%get3A, %get3A_0] : memref<5000x128xf32, #tpu.memory_space<vmem>>, vector<5000x128xf32>
    %get3A_2 = arith.constant 0 : index
    %get3A_3 = arith.constant 0 : index
    %get3A_4 = vector.load %arg2[%get3A_2, %get3A_3] : memref<128x128xf32, #tpu.memory_space<vmem>>, vector<128x128xf32>
    %dot_general3A = arith.constant dense<0.000000e+00> : vector<5000x128xf32>
    %dot_general3A_5 = tpu.matmul %get3A_1, %get3A_4, %dot_general3A {dimension_numbers = #tpu.dot_dimension_numbers<[1], [0], [0], [1], [0, 0, 1, 1], [], []>, transpose_lhs_hint = false} : vector<5000x128xf32>, vector<128x128xf32>, vector<5000x128xf32> -> vector<5000x128xf32>
    %get3A_6 = arith.constant 0 : index
    %get3A_7 = arith.constant 0 : index
    %get3A_8 = vector.load %arg3[%get3A_6, %get3A_7] : memref<1x128xf32, #tpu.memory_space<vmem>>, vector<1x128xf32>
    %add3A = vector.broadcast %get3A_8 : vector<1x128xf32> to vector<5000x128xf32>
    %add3A_9 = arith.addf %dot_general3A_5, %add3A : vector<5000x128xf32>
    %max3A = arith.constant 0.000000e+00 : f32
    %max3A_10 = vector.broadcast %max3A : f32 to vector<5000x128xf32>
    %max3A_11 = arith.maximumf %add3A_9, %max3A_10 : vector<5000x128xf32>
    %get3A_12 = arith.constant 0 : index
    %get3A_13 = arith.constant 0 : index
    %get3A_14 = vector.load %arg5[%get3A_12, %get3A_13] : memref<2x168xf32, #tpu.memory_space<vmem>>, vector<2x168xf32>
    %slice3A = vector.extract_strided_slice %get3A_14 {offsets = [0, 0], sizes = [2, 128], strides = [1, 1]} : vector<2x168xf32> to vector<2x128xf32>
    %dot_general3A_15 = arith.constant dense<0.000000e+00> : vector<5000x2xf32>
    %dot_general3A_16 = tpu.matmul %max3A_11, %slice3A, %dot_general3A_15 {dimension_numbers = #tpu.dot_dimension_numbers<[1], [1], [0], [0], [0, 0, 1, 0], [], []>, transpose_lhs_hint = false} : vector<5000x128xf32>, vector<2x128xf32>, vector<5000x2xf32> -> vector<5000x2xf32>
    %get3A_17 = arith.constant 0 : index
    %get3A_18 = arith.constant 0 : index
    %get3A_19 = vector.load %arg4[%get3A_17, %get3A_18] : memref<5000x40xf32, #tpu.memory_space<vmem>>, vector<5000x40xf32>
    %slice3A_20 = vector.extract_strided_slice %get3A_14 {offsets = [0, 128], sizes = [2, 40], strides = [1, 1]} : vector<2x168xf32> to vector<2x40xf32>
    %dot_general3A_21 = arith.constant dense<0.000000e+00> : vector<5000x2xf32>
    %dot_general3A_22 = tpu.matmul %get3A_19, %slice3A_20, %dot_general3A_21 {dimension_numbers = #tpu.dot_dimension_numbers<[1], [1], [0], [0], [0, 0, 1, 0], [], []>, transpose_lhs_hint = false} : vector<5000x40xf32>, vector<2x40xf32>, vector<5000x2xf32> -> vector<5000x2xf32>
    %add3A_23 = arith.addf %dot_general3A_16, %dot_general3A_22 : vector<5000x2xf32>
    %get3A_24 = arith.constant 0 : index
    %get3A_25 = arith.constant 0 : index
    %get3A_26 = vector.load %arg6[%get3A_24, %get3A_25] : memref<1x1xf32, #tpu.memory_space<vmem>>, vector<1x1xf32>
    %broadcast_in_dim3A = arith.constant 0.000000e+00 : f32
    %broadcast_in_dim3A_27 = vector.broadcast %broadcast_in_dim3A : f32 to vector<1x1xf32>
    %concatenate3A = tpu.concatenate %get3A_26, %broadcast_in_dim3A_27 in 1 : vector<1x1xf32>, vector<1x1xf32> -> vector<1x2xf32>
    %add3A_28 = vector.broadcast %concatenate3A : vector<1x2xf32> to vector<5000x2xf32>
    %add3A_29 = arith.addf %add3A_23, %add3A_28 : vector<5000x2xf32>
    %swap3A = arith.constant 0 : index
    %swap3A_30 = arith.constant 0 : index
    %swap3A_31 = vector.load %arg7[%swap3A, %swap3A_30] : memref<5000x2xf32, #tpu.memory_space<vmem>>, vector<5000x2xf32>
    tpu.vector_store %arg7[%swap3A, %swap3A_30], %add3A_29 {strides = array<i32>} : memref<5000x2xf32, #tpu.memory_space<vmem>>, vector<5000x2xf32>,
    return
  }
  func.func @transform_0(%arg0: i32) -> (i32, i32) {
    %c0_i32 = arith.constant 0 : i32
    %c0_i32_0 = arith.constant 0 : i32
    return %arg0, %c0_i32 : i32, i32
  }
  func.func @transform_1(%arg0: i32) -> (i32, i32) {
    %c0_i32 = arith.constant 0 : i32
    %c0_i32_0 = arith.constant 0 : i32
    %c0_i32_1 = arith.constant 0 : i32
    return %c0_i32, %c0_i32_0 : i32, i32
  }
  func.func @transform_2(%arg0: i32) -> (i32, i32) {
    %c0_i32 = arith.constant 0 : i32
    %c0_i32_0 = arith.constant 0 : i32
    %c0_i32_1 = arith.constant 0 : i32
    return %c0_i32, %c0_i32_0 : i32, i32
  }
  func.func @transform_3(%arg0: i32) -> (i32, i32) {
    %c0_i32 = arith.constant 0 : i32
    %c0_i32_0 = arith.constant 0 : i32
    return %arg0, %c0_i32 : i32, i32
  }
  func.func @transform_4(%arg0: i32) -> (i32, i32) {
    %c0_i32 = arith.constant 0 : i32
    %c0_i32_0 = arith.constant 0 : i32
    %c0_i32_1 = arith.constant 0 : i32
    return %c0_i32, %c0_i32_0 : i32, i32
  }
  func.func @transform_5(%arg0: i32) -> (i32, i32) {
    %c0_i32 = arith.constant 0 : i32
    %c0_i32_0 = arith.constant 0 : i32
    %c0_i32_1 = arith.constant 0 : i32
    return %c0_i32, %c0_i32_0 : i32, i32
  }
  func.func @transform_6(%arg0: i32) -> (i32, i32) {
    %c0_i32 = arith.constant 0 : i32
    %c0_i32_0 = arith.constant 0 : i32
    return %arg0, %c0_i32 : i32, i32
  }
}

</mosaic_0001>

<sc_bundles>
// kernel: kernel.4.cloned.1.call-start
scs
__scs_entry_jumppad:
0x0: {  	(pc) =	sbr.rel $0x88, $3  }
0x1: {  	(tag) =	ssettag $0x0;
	lr =	simm.s32 $0x1  }
0x2: {  	[smem:$0x3F9A] =	sst lr;
	_ =	strace $0xD0000000  }
0x3: {  	_ = 	snop  }
0x4: {  	_ = 	snop  }
0x5: {  	_ = 	snop  }
0x6: {  	_ = 	snop  }
0x7: {  	_ = 	snop  }
__scs_overlays_trampoline_lowered:
0x8: {  	[smem:$0x3FA9] =	sst s0  }
0x9: {  	[smem:$0x3FAA] =	sst s1  }
0xa: {  	[smem:$0x3FAB] =	sst s2  }
0xb: {  	[smem:$0x3FAC] =	sst s3  }
0xc: {  	[smem:$0x3FAD] =	sst s4  }
0xd: {  	[smem:$0x3FAE] =	sst s5  }
0xe: {  	[smem:$0x3FAF] =	sst s6  }
0xf: {  	[smem:$0x3FB0] =	sst s7  }
0x10: {  	[smem:$0x3FB1] =	sst s8  }
0x11: {  	[smem:$0x3FB2] =	sst s9;
	s0 =	simm.s32 @!p0 $0x0  }
0x12: {  	s1 =	sld [smem:$0x3F98];
	s0 =	simm.s32 @p0 $0x1  }
0x13: {  	[smem:$0x3FB3] =	sst s0;
	s0 =	simm.s32 @!p1 $0x0  }
0x14: {  	s2 =	sld [smem:$0x3F97];
	s0 =	simm.s32 @p1 $0x1  }
0x15: {  	[smem:$0x3FB4] =	sst s0;
	s0 =	simm.s32 @!p2 $0x0  }
0x16: {  	s3 =	sld [smem:$0x3FDB];
	s0 =	simm.s32 @p2 $0x1  }
0x17: {  	s4 =	simm.s32 $0x1BF5;
	[smem:$0x3FB6] =	sst s0  }
0x18: {  	s0 =	sld [smem:$0x3F99];
	_ =	swait.ge [sflag:s4], $0x0  }
0x19: {  	s7 =	sld [smem:$0x3F9A]  }
0x1a: {  	s8 =	sadd.s32 $0xFFFFE003, lr  }
0x1b: {  	s9 =	sadd.s32 $0xFFFFFEF7, lr;
	s5 =	simm.s32 $0xFFFFFFFF;
	p2 =	slt.u32 s8, $0xFFFFF086  }
0x1c: {  	p1 =	slt.u32 s9, $0xF7A;
	s5 =	simm.s32 @!p2 $0x0  }
0x1d: {  	s5 =	simm.s32 @p1 $0x1;
	p0 =	seq.s32 s7, s2  }
0x1e: {  	s7 =	smul.u32 @!p0 $0xF7A, s2;
	p2 =	seq.s32 @!p0 s5, $0x0  }
0x1f: {  	s9 =	smul.u32 $0xF7A, s1;
	s8 =	simm.s32 @!p0 $0x1BF5;
	p2 =	por !p2, p0  }
0x20: {  	[sflag:s8] =	ssyncset.s32 @!p0 $0xFFFFF086;
	s6 =	sadd.s32 @!p0 s3, s7;
	s7 =	simm.s32 @!p0 $0x108  }
0x21: {  	s3 =	sadd.s32 s3, s9;
	s6 =	sadd.s32 @!p0 $0x88, s6;
	s7 =	simm.s32 @p2 $0x1082  }
0x22: {  	[simem:s7], [sflag:s8] =	dma.local @!p0 [hbm:s6], $0xF7A  }
0x23: {  	s9 =	sor.u32 $0xD0000000, s2;
	s6 =	simm.s32 $0x108;
	_ =	swait.ge @!p0 [sflag:s8], $0x0  }
0x24: {  	s3 =	sadd.s32 $0x88, s3;
	s6 =	simm.s32 @!p1 $0x1082;
	[sflag:s4] =	ssyncset.s32 $0xFFFFF086  }
0x25: {  	[simem:s6], [sflag:s4] =	dma.local [hbm:s3], $0xF7A  }
0x26: {  	[smem:$0x3F9A] =	sst s1;
	(tag) =	ssettag s2;
	_ =	strace s9  }
0x27: {  	s1 =	sld [smem:$0x3FAA]  }
0x28: {  	s2 =	sld [smem:$0x3FAB]  }
0x29: {  	s4 =	sld [smem:$0x3FAD]  }
0x2a: {  	p0 =	seq.s32 s5, $0x0;
	s5 =	sld [smem:$0x3FAE]  }
0x2b: {  	s6 =	sld [smem:$0x3FAF]  }
0x2c: {  	s7 =	sld [smem:$0x3FB0]  }
0x2d: {  	s3 =	simm.s32 $0x108;
	s8 =	sld [smem:$0x3FB1]  }
0x2e: {  	s3 =	simm.s32 @!p0 $0x1082;
	s9 =	sld [smem:$0x3FB2]  }
0x2f: {  	lr =	sadd.s32 s0, s3;
	s0 =	sld [smem:$0x3FA9]  }
0x30: {  	s3 =	sld [smem:$0x3FAC]  }
0x31: {  	[smem:$0x3FB5] =	sst s10  }
0x32: {  	s10 =	sld [smem:$0x3FB3];
	_ =	sdelay $0x3  }
0x33: {  	p0 =	seq.s32 s10, $0x1;
	s10 =	sld [smem:$0x3FB5];
	_ =	sdelay $0x3  }
0x34: {  	[smem:$0x3FB5] =	sst s10  }
0x35: {  	s10 =	sld [smem:$0x3FB4];
	_ =	sdelay $0x3  }
0x36: {  	p1 =	seq.s32 s10, $0x1;
	s10 =	sld [smem:$0x3FB5];
	_ =	sdelay $0x3  }
0x37: {  	[smem:$0x3FB5] =	sst s10  }
0x38: {  	s10 =	sld [smem:$0x3FB6]  }
0x39: {  	_ = 	snop;
	(pc) =	sbr.ind lr, $3  }
0x3a: {  	_ = 	snop  }
0x3b: {  	_ = 	snop  }
0x3c: {  	p2 =	seq.s32 s10, $0x1;
	s10 =	sld [smem:$0x3FB5]  }
0x3d: {  	_ =	shalt  }
0x3e: {  	_ =	shalt  }
0x3f: {  	_ =	shalt  }
0x40: {  	_ =	shalt  }
0x41: {  	_ =	shalt  }
0x42: {  	_ =	shalt  }
0x43: {  	_ =	shalt  }
0x44: {  	_ =	shalt  }
0x45: {  	_ =	shalt  }
0x46: {  	_ =	shalt  }
0x47: {  	_ =	shalt  }
0x48: {  	_ =	shalt  }
0x49: {  	_ =	shalt  }
0x4a: {  	_ =	shalt  }
0x4b: {  	_ =	shalt  }
0x4c: {  	_ =	shalt  }
0x4d: {  	_ =	shalt  }
0x4e: {  	_ =	shalt  }
0x4f: {  	_ =	shalt  }
0x50: {  	_ =	shalt  }
0x51: {  	_ =	shalt  }
0x52: {  	_ =	shalt  }
0x53: {  	_ =	shalt  }
0x54: {  	_ =	shalt  }
0x55: {  	_ =	shalt  }
0x56: {  	_ =	shalt  }
0x57: {  	_ =	shalt  }
0x58: {  	_ =	shalt  }
0x59: {  	_ =	shalt  }
0x5a: {  	_ =	shalt  }
0x5b: {  	_ =	shalt  }
0x5c: {  	_ =	shalt  }
0x5d: {  	_ =	shalt  }
0x5e: {  	_ =	shalt  }
0x5f: {  	_ =	shalt  }
0x60: {  	_ =	shalt  }
0x61: {  	_ =	shalt  }
0x62: {  	_ =	shalt  }
0x63: {  	_ =	shalt  }
0x64: {  	_ =	shalt  }
0x65: {  	_ =	shalt  }
0x66: {  	_ =	shalt  }
0x67: {  	_ =	shalt  }
0x68: {  	_ =	shalt  }
0x69: {  	_ =	shalt  }
0x6a: {  	_ =	shalt  }
0x6b: {  	_ =	shalt  }
0x6c: {  	_ =	shalt  }
0x6d: {  	_ =	shalt  }
0x6e: {  	_ =	shalt  }
0x6f: {  	_ =	shalt  }
0x70: {  	_ =	shalt  }
0x71: {  	_ =	shalt  }
0x72: {  	_ =	shalt  }
0x73: {  	_ =	shalt  }
0x74: {  	_ =	shalt  }
0x75: {  	_ =	shalt  }
0x76: {  	_ =	shalt  }
0x77: {  	_ =	shalt  }
0x78: {  	_ =	shalt  }
0x79: {  	_ =	shalt  }
0x7a: {  	_ =	shalt  }
0x7b: {  	_ =	shalt  }
0x7c: {  	_ =	shalt  }
0x7d: {  	_ =	shalt  }
0x7e: {  	_ =	shalt  }
0x7f: {  	_ =	shalt  }
0x80: {  	_ =	shalt  }
0x81: {  	_ =	shalt  }
0x82: {  	_ =	shalt  }
0x83: {  	_ =	shalt  }
0x84: {  	_ =	shalt  }
0x85: {  	_ =	shalt  }
0x86: {  	_ =	shalt  }
0x87: {  	_ =	shalt  }
.Lfunc_end0:
.L_simem_size_0:
called_computation_lowered:
.L_overlay_start_0:
0x88: {  	s2 =	sld [smem:$0x3FD9]  }
0x89: {  	s3 =	sld [smem:$0x3FFE];
	_ =	sdelay $0x1  }
0x8a: {  	s1 =	srdreg.scid  }
0x8b: {  	s0 =	sand.u32 $0x1, s1  }
0x8c: {  	s17 =	sshll.u32 s0, $0xA;
	s2 =	sadd.s32 s3, s2  }
0x8d: {  	s2 =	sadd.s32 s2, s17  }
0x8e: {  	[smem:$0x3FC1] =	sst s2  }
0x8f: {  	_ = 	snop  }
0x90: {  	s2 =	sld [smem:$0x3FD0];
	(tm) =	ssettm $0x1  }
0x91: {  	s18 =	sld [smem:$0x3FFB];
	_ =	sdelay $0x3  }
0x92: {  	_ =	strace s18  }
0x93: {  	s3 =	sld [smem:$0x3FFC];
	_ =	sdelay $0x3  }
0x94: {  	_ =	strace s3  }
0x95: {  	s3 =	sld [smem:$0x3FFD];
	_ =	sdelay $0x3  }
0x96: {  	_ =	strace s3  }
0x97: {  	_ =	strace $0x8FFFFFFF  }
0x98: {  	s19 =	sld [smem:$0x3FDB];
	_ =	sdelay $0x1  }
0x99: {  	s4 =	simm.s32 $_scs_section_size  }
0x9a: {  	s5 =	simm.s32 $_size__tile_overlayer_lowered;
	s6 =	simm.s32 $_tile_overlayer_lowered  }
0x9b: {  	s22 =	simm.s32 $0x1BFF;
	s21 =	sshll.u32 s6, $0x1;
	s3 =	sadd.s32 s4, s19  }
0x9c: {  	s7 =	simm.s32 $0x0;
	s20 =	sshll.u32 s5, $0x1;
	s5 =	sadd.s32 s21, s3  }
0x9d: {  	[timem:s7], [sflag:s22] =	dma.local [hbm:s5], s20  }
0x9e: {  	_ =	swait.ge [sflag:s22], s20  }
0x9f: {  	s4 =	ssub.s32 $0x0, s20;
	[sflag:s22] =	ssyncset.done $0x0  }
0xa0: {  	[sflag:s22] =	ssyncadd.s32 s4;
	_ =	sdelay $0x1  }
0xa1: {  	s23 =	simm.s32 $0x1B8B  }
0xa2: {  	_ =	swait.ge [sflag:s23], $0x1  }
0xa3: {  	[sflag:s23] =	ssyncset.done $0x0  }
0xa4: {  	s25 =	simm.s32 $0x1B8E;
	s24 =	sld [smem:$0x3FFE];
	[sflag:s23] =	ssyncadd.s32 $0xFFFFFFFF  }
0xa5: {  	s26 =	simm.s32 $execute0_lowered;
	[smem:$0x3FD2] =	sst s25  }
0xa6: {  	s5 =	sshll.u32 s26, $0x1;
	_ =	strace $0x80000046;
	[dreg:$0x1] =	wrdreg $0xFFFFFFFF  }
0xa7: {  	s28 =	simm.s32 $_size_execute0_lowered;
	s3 =	sadd.s32 s3, s5;
	[dreg:$0x0] =	wrdreg $0x0  }
0xa8: {  	s5 =	sshll.u32 s28, $0x1;
	[dreg:$0x2] =	wrdreg s3  }
0xa9: {  	[dreg:$0x3] =	wrdreg s5  }
0xaa: {  	[dreg:$0x4] =	wrdreg $0xC0  }
0xab: {  	_ =	task [dreg:s7], $0x5FFFF  }
0xac: {  	[dreg:$0x1] =	wrdreg $0xFFFFFFFF  }
0xad: {  	[dreg:$0x0] =	wrdreg $0x60  }
0xae: {  	[dreg:$0x2] =	wrdreg s2  }
0xaf: {  	[dreg:$0x3] =	wrdreg s24  }
0xb0: {  	[dreg:$0x4] =	wrdreg $0x9  }
0xb1: {  	_ =	task.clear_ibuf [dreg:s7], $0x5FFFF;
	_ =	strace $0x90000046  }
0xb2: {  	s29 =	simm.s32 $0x9;
	_ =	strace $0x80000048  }
0xb3: {  	_ =	swait.ge [sflag:s29], $0x1  }
0xb4: {  	[sflag:s29] =	ssyncadd.s32 $0xFFFFFFFF  }
0xb5: {  	_ =	strace $0x90000048  }
0xb6: {  	_ =	sfence  }
0xb7: {  	s30 =	sld [smem:$0x0];
	_ =	sdelay $0x2  }
0xb8: {  	s31 =	sshll.u32 s1, $0xD;
	s1 =	sshrl.u32 s1, $0x2  }
0xb9: {  	s3 =	sand.u32 $0x4000, s31;
	s1 =	sadd.s32 s1, s30  }
0xba: {  	s0 =	sor.u32 s3, s0;
	s1 =	sshll.u32 s1, $0x11  }
0xbb: {  	s0 =	sor.u32 s1, s0  }
0xbc: {  	s0 =	sadd.s32 $0x8F2B, s0  }
0xbd: {  	[sflag:s0] =	ssyncadd.remote.s32 $0x1  }
0xbe: {  	_ =	sfence.sel $0xFFFF  }
0xbf: {  	[dreg:$0x0] =	wrdreg $0xFFFFFFFF;
	(pc) =	sbr.abs _section_cstart, $3  }
0xc0: {  	[dreg:$0x1] =	wrdreg $0xFFFFFFFF  }
0xc1: {  	_ =	task.clear_ibuf [dreg:s7], $0x2FFFF;
	_ =	strace $0x9FFFFFFF  }
0xc2: {  	(tm) =	ssettm $0x7FFFFFFF  }
0xc3: {  	_ =	shalt  }
tec
execute0_lowered:
.L_overlay_start_1:
0x0: {  	(tag) =	ssettag $0x1  }
0x1: {  	s1 =	srdreg.scid;
	s2 =	rddreg [dreg:$0x0]  }
0x2: {  	s0 =	stileid.u32;
	s5 =	rddreg [dreg:$0x1];
	s3 =	simm.s32 $0x0  }
0x3: {  	s10 =	simm.s32 $0x7600;
	s4 =	sand.u32 $0x1, s1;
	s31 =	sshll.u32 s0, $0x1  }
0x4: {  	s11 =	simm.s32 $0x1;
	s12 =	simm.s32 $0x9D80;
	s1 =	sor.u32 s4, s31  }
0x5: {  	s13 =	simm.s32 $0xB100;
	s14 =	simm.s32 $0x2;
	s6 =	smul.u32 $0x2710, s1  }
0x6: {  	s15 =	simm.s32 $0x0;
	[smem:$0x7FF] =	sst s3;
	s4 =	ssub.s32 $0x2, s4  }
0x7: {  	s1 =	rddreg [dreg:$0x2];
	s7 =	sshrl.u32 s4, $0x1;
	s6 =	sshrl.u32 s6, $0x3  }
0x8: {  	_ =	strace $0x80000047;
	s9 =	ssub.s32 s4, s7;
	s8 =	sadd.s32 s6, s5  }
0x9: {  	s4 =	sadd.s32 $0xA00, s8;
	s5 =	sadd.s32 $0xA640, s8;
	s6 =	sadd.s32 $0x14400, s8  }
0xa: {  	s7 =	sadd.s32 $0x14670, s8;
	s8 =	smax.u32 s9, $0x1;
	s9 =	simm.s32 $0x4E80  }
.LBB2_1:
0xb: {  	[tilespmem:s3], [sflag:$0x1] =	stream.linear.gather [hbm4b:s2+s3], $0x4E80, $0x38;
	[tilespmem:$0xC500] =	vst v63  }
0xc: {  	_ = 	snop  }
0xd: {  	[tilespmem:s9], [sflag:$0x1] =	stream.linear.gather [hbm4b:s4+s3], $0x2710, $0x38;
	[tilespmem:$0xC500] =	vst v63  }
0xe: {  	_ = 	snop  }
0xf: {  	[tilespmem:s10], [sflag:$0x1] =	stream.linear.gather [hbm4b:s5+s3], $0x2710, $0x38;
	[tilespmem:$0xC500] =	vst v63  }
0x10: {  	_ =	swait.ge [sflag:s11], $0x4E80  }
0x11: {  	[sflag:s11] =	ssyncset.done $0x0  }
0x12: {  	[sflag:s11] =	ssyncadd.s32 $0xFFFFB180  }
0x13: {  	_ =	swait.ge [sflag:s11], $0x2710  }
0x14: {  	[sflag:s11] =	ssyncset.done $0x0  }
0x15: {  	[sflag:s11] =	ssyncadd.s32 $0xFFFFD8F0  }
0x16: {  	_ =	swait.ge [sflag:s11], $0x2710  }
0x17: {  	[sflag:s11] =	ssyncset.done $0x0  }
0x18: {  	s16 =	simm.s32 $0x4EC0;
	[sflag:s11] =	ssyncadd.s32 $0xFFFFD8F0  }
0x19: {  	s17 =	simm.s32 $0x7640;
	v0 =	vld [tilespmem:s16+$0x30]  }
0x1a: {  	v1 =	vld [tilespmem:s17+$0x30]  }
0x1b: {  	v2 =	vld [tilespmem:s17+$0xFFFFFFC0]  }
0x1c: {  	v3 =	vld [tilespmem:s17+$0xFFFFFFD0]  }
0x1d: {  	v4 =	vld [tilespmem:s17+$0xFFFFFFE0]  }
0x1e: {  	v5 =	vld [tilespmem:s17+$0xFFFFFFF0]  }
0x1f: {  	v6 =	vld [tilespmem:s17+$0x0]  }
0x20: {  	v7 =	vld [tilespmem:s17+$0x10]  }
0x21: {  	v8 =	vld [tilespmem:s17+$0x20]  }
0x22: {  	v9 =	vld [tilespmem:s16+$0xFFFFFFD0]  }
0x23: {  	v10 =	vld [tilespmem:s16+$0xFFFFFFE0];
	v0 =	vshll.u32 v0, $0x1;
	v1 =	vshll.u32 v1, $0x1  }
0x24: {  	v11 =	vld [tilespmem:s16+$0xFFFFFFF0];
	v1 =	vor.u32 $0x1, v1  }
0x25: {  	v12 =	vld [tilespmem:s16+$0x0]  }
0x26: {  	v13 =	vld [tilespmem:s16+$0x10]  }
0x27: {  	v15 =	vld [tilespmem:s16+$0xFFFFFFC0]  }
0x28: {  	v9 =	vshll.u32 v9, $0x1;
	v0 =	vld.idx.msk [tilespmem:v0+s3+$0x0], $0xffff  }
0x29: {  	v2 =	vshll.u32 v2, $0x1;
	v10 =	vshll.u32 v10, $0x1;
	v1 =	vld.idx.msk [tilespmem:v1+s3+$0x0], $0xffff  }
0x2a: {  	s31 =	simm.s32 $0x4F40;
	v14 =	vld [tilespmem:s16+$0x20];
	v3 =	vshll.u32 v3, $0x1;
	v2 =	vor.u32 $0x1, v2  }
0x2b: {  	s16 =	simm.s32 $0x76C0;
	v58 =	vld [tilespmem:s31+$0xFFFFFFE0];
	v4 =	vshll.u32 v4, $0x1;
	v3 =	vor.u32 $0x1, v3  }
0x2c: {  	v16 =	vld [tilespmem:s16+$0xFFFFFFC0];
	v4 =	vor.u32 $0x1, v4  }
0x2d: {  	v9 =	vld.idx.msk [tilespmem:v9+s3+$0x0], $0xffff  }
0x2e: {  	v10 =	vld.idx.msk [tilespmem:v10+s3+$0x0], $0xffff;
	v0 =	vadd.f32 v1, v0;
	v1 =	vshll.u32 v15, $0x1  }
0x2f: {  	v11 =	vshll.u32 v11, $0x1;
	v2 =	vld.idx.msk [tilespmem:v2+s3+$0x0], $0xffff  }
0x30: {  	v12 =	vshll.u32 v12, $0x1;
	v3 =	vld.idx.msk [tilespmem:v3+s3+$0x0], $0xffff;
	v0 =	vsub.f32 $0.0e+00, v0  }
0x31: {  	v13 =	vshll.u32 v13, $0x1;
	v4 =	vld.idx.msk [tilespmem:v4+s3+$0x0], $0xffff  }
0x32: {  	v14 =	vshll.u32 v14, $0x1;
	v15 =	vld [tilespmem:s16+$0x30];
	v0 =	vmul.f32 $1.442695020e+00, v0  }
0x33: {  	v5 =	vshll.u32 v5, $0x1;
	v1 =	vld.idx.msk [tilespmem:v1+s3+$0x0], $0xffff  }
0x34: {  	v6 =	vshll.u32 v6, $0x1;
	v5 =	vor.u32 $0x1, v5;
	(erf) = vpow2.f32 v0;
	v0 =	vld.idx.msk [tilespmem:v11+s3+$0x0], $0xffff  }
0x35: {  	v7 =	vshll.u32 v7, $0x1;
	v6 =	vor.u32 $0x1, v6;
	v11 =	vld.idx.msk [tilespmem:v12+s3+$0x0], $0xffff  }
0x36: {  	v8 =	vshll.u32 v8, $0x1;
	v7 =	vor.u32 $0x1, v7;
	v12 =	vld.idx.msk [tilespmem:v13+s3+$0x0], $0xffff  }
0x37: {  	v8 =	vor.u32 $0x1, v8;
	v13 =	vld.idx.msk [tilespmem:v14+s3+$0x0], $0xffff  }
0x38: {  	v14 =	vld [tilespmem:s31+$0x30]  }
0x39: {  	v5 =	vld.idx.msk [tilespmem:v5+s3+$0x0], $0xffff  }
0x3a: {  	v6 =	vld.idx.msk [tilespmem:v6+s3+$0x0], $0xffff  }
0x3b: {  	v7 =	vld.idx.msk [tilespmem:v7+s3+$0x0], $0xffff;
	v3 =	vadd.f32 v3, v9;
	v15 =	vshll.u32 v15, $0x1  }
0x3c: {  	v8 =	vld.idx.msk [tilespmem:v8+s3+$0x0], $0xffff;
	v4 =	vadd.f32 v4, v10;
	v15 =	vor.u32 $0x1, v15  }
0x3d: {  	v18 =	vld [tilespmem:s31+$0xFFFFFFF0];
	v3 =	vsub.f32 $0.0e+00, v3;
	v1 =	vadd.f32 v2, v1;
	v14 =	vshll.u32 v14, $0x1  }
0x3e: {  	v4 =	vsub.f32 $0.0e+00, v4;
	v2 =	vld [tilespmem:s16+$0xFFFFFFE0];
	v0 =	vadd.f32 v5, v0  }
0x3f: {  	v5 =	vld [tilespmem:s16+$0xFFFFFFF0];
	v6 =	vadd.f32 v6, v11;
	v1 =	vsub.f32 $0.0e+00, v1;
	v10 =	vpop (erf)  }
0x40: {  	v3 =	vmul.f32 $1.442695020e+00, v3;
	v11 =	vld [tilespmem:s16+$0x10];
	v7 =	vadd.f32 v7, v12;
	v10 =	vadd.f32 $1.000000000e+00, v10  }
0x41: {  	v8 =	vadd.f32 v8, v13;
	v13 =	vshll.u32 v16, $0x1;
	v15 =	vld.idx.msk [tilespmem:v15+s3+$0x0], $0xffff;
	v1 =	vmul.f32 $1.442695020e+00, v1  }
0x42: {  	v13 =	vor.u32 $0x1, v13;
	v0 =	vsub.f32 $0.0e+00, v0;
	v14 =	vld.idx.msk [tilespmem:v14+s3+$0x0], $0xffff;
	(erf) = vrcp.f32 v10  }
0x43: {  	v17 =	vld [tilespmem:s16+$0x0];
	v4 =	vmul.f32 $1.442695020e+00, v4;
	v6 =	vsub.f32 $0.0e+00, v6;
	(erf) = vpow2.f32 v1  }
0x44: {  	v12 =	vld [tilespmem:s16+$0x20];
	v7 =	vsub.f32 $0.0e+00, v7;
	v2 =	vshll.u32 v2, $0x1;
	v0 =	vmul.f32 $1.442695020e+00, v0  }
0x45: {  	v9 =	vld [tilespmem:s16+$0xFFFFFFD0];
	v2 =	vor.u32 $0x1, v2;
	v5 =	vshll.u32 v5, $0x1;
	(erf) = vpow2.f32 v3  }
0x46: {  	v10 =	vld [tilespmem:s31+$0xFFFFFFD0];
	v3 =	vshll.u32 v11, $0x1;
	(erf) = vpow2.f32 v4;
	v4 =	vmul.f32 $1.442695020e+00, v7  }
0x47: {  	v7 =	vor.u32 $0x1, v3;
	(erf) = vpow2.f32 v0;
	v0 =	vld.idx.msk [tilespmem:v13+s3+$0x0], $0xffff;
	v13 =	vadd.f32 v15, v14  }
0x48: {  	v20 =	vld [tilespmem:s31+$0x0];
	v19 =	vor.u32 $0x1, v5;
	v5 =	vmul.f32 $1.442695020e+00, v6;
	v1 =	vshll.u32 v17, $0x1  }
0x49: {  	v8 =	vsub.f32 $0.0e+00, v8;
	v12 =	vshll.u32 v12, $0x1;
	v1 =	vor.u32 $0x1, v1;
	v3 =	vld [tilespmem:s31+$0xFFFFFFC0]  }
0x4a: {  	v12 =	vor.u32 $0x1, v12;
	(erf) = vpow2.f32 v5;
	v5 =	vld.idx.msk [tilespmem:v2+s3+$0x0], $0xffff;
	v2 =	vsub.f32 $0.0e+00, v13  }
0x4b: {  	v9 =	vshll.u32 v9, $0x1;
	v8 =	vmul.f32 $1.442695020e+00, v8;
	v11 =	vld [tilespmem:s31+$0x20];
	v10 =	vshll.u32 v10, $0x1;
	v13 =	vpop (erf)  }
0x4c: {  	v9 =	vor.u32 $0x1, v9;
	(erf) = vpow2.f32 v4;
	v59 =	vmul.f32 $1.442695020e+00, v2;
	v2 =	vld.idx.msk [tilespmem:v7+s3+$0x0], $0xffff;
	v7 =	vpop (erf)  }
0x4d: {  	v6 =	vld [tilespmem:s31+$0x10];
	v14 =	vshll.u32 v58, $0x1;
	(erf) = vpow2.f32 v8;
	v7 =	vadd.f32 $1.000000000e+00, v7  }
0x4e: {  	v8 =	vshll.u32 v3, $0x1;
	v3 =	vld.idx.msk [tilespmem:v1+s3+$0x0], $0xffff  }
0x4f: {  	v1 =	vld.idx.msk [tilespmem:v12+s3+$0x0], $0xffff;
	v12 =	vpop (erf)  }
0x50: {  	v60 =	vshll.u32 v20, $0x1;
	v15 =	vshll.u32 v18, $0x1;
	(erf) = vpow2.f32 v59;
	v62 =	vld.idx.msk [tilespmem:v10+s3+$0x0], $0xffff;
	v10 =	vpop (erf)  }
0x51: {  	v9 =	vld.idx.msk [tilespmem:v9+s3+$0x0], $0xffff;
	v63 =	vshll.u32 v11, $0x1;
	v11 =	vadd.f32 $1.000000000e+00, v10;
	(erf) = vrcp.f32 v7;
	v7 =	vpop (erf)  }
0x52: {  	v61 =	vshll.u32 v6, $0x1;
	v6 =	vld.idx.msk [tilespmem:v14+s3+$0x0], $0xffff;
	v12 =	vadd.f32 $1.000000000e+00, v12;
	v14 =	vadd.f32 $1.000000000e+00, v7  }
0x53: {  	v4 =	vld.idx.msk [tilespmem:v19+s3+$0x0], $0xffff  }
0x54: {  	v10 =	vld.idx.msk [tilespmem:v8+s3+$0x0], $0xffff;
	(erf) = vrcp.f32 v12;
	v7 =	vpop (erf)  }
0x55: {  	s17 =	simm.s32 $0x9DC0;
	v8 =	vld.idx.msk [tilespmem:v15+s3+$0x0], $0xffff;
	(erf) = vrcp.f32 v11;
	v12 =	vadd.f32 $1.000000000e+00, v7;
	v11 =	vpop (erf)  }
0x56: {  	[tilespmem:s17+$0x30] =	vst v13;
	v13 =	vadd.f32 v9, v62;
	v9 =	vld.idx.msk [tilespmem:v63+s3+$0x0], $0xffff;
	v15 =	vadd.f32 $1.000000000e+00, v11;
	(erf) = vrcp.f32 v14;
	v14 =	vpop (erf)  }
0x57: {  	v7 =	vld.idx.msk [tilespmem:v60+s3+$0x0], $0xffff;
	(erf) = vrcp.f32 v12;
	v12 =	vadd.f32 $1.000000000e+00, v14  }
0x58: {  	s18 =	simm.s32 $0x80;
	s19 =	simm.s32 $0x4FC0;
	v11 =	vld.idx.msk [tilespmem:v61+s3+$0x0], $0xffff;
	(erf) = vrcp.f32 v15  }
.LBB2_2:
0x59: {  	v14 =	vld [tilespmem:s19+$0x30];
	v5 =	vadd.f32 v5, v6;
	s16 =	sadd.s32 $0x80, s16;
	(erf) = vrcp.f32 v12  }
0x5a: {  	s18 =	sadd.s32 $0x80, s18;
	v0 =	vadd.f32 v0, v10;
	v6 =	vld [tilespmem:s16+$0x30];
	v10 =	vsub.f32 $0.0e+00, v13;
	v12 =	vpop (erf)  }
0x5b: {  	p0 =	slt.u32 s18, $0x1300;
	v4 =	vadd.f32 v4, v8;
	v13 =	vld [tilespmem:s16+$0xFFFFFFC0];
	v8 =	vadd.f32 $1.000000000e+00, v12  }
0x5c: {  	v0 =	vsub.f32 $0.0e+00, v0;
	v3 =	vadd.f32 v3, v7;
	v12 =	vld [tilespmem:s16+$0xFFFFFFD0];
	v10 =	vmul.f32 $1.442695020e+00, v10;
	v7 =	vpop (erf)  }
0x5d: {  	v5 =	vsub.f32 $0.0e+00, v5;
	v2 =	vadd.f32 v2, v11;
	v15 =	vld [tilespmem:s16+$0xFFFFFFE0];
	(erf) = vrcp.f32 v8;
	[tilespmem:s17+$0xFFFFFFC0] =	vst v7;
	v7 =	vpop (erf)  }
0x5e: {  	v4 =	vsub.f32 $0.0e+00, v4;
	v0 =	vmul.f32 $1.442695020e+00, v0;
	v1 =	vadd.f32 v1, v9;
	v8 =	vld [tilespmem:s16+$0xFFFFFFF0];
	[tilespmem:s17+$0xFFFFFFD0] =	vst v7;
	v7 =	vpop (erf)  }
0x5f: {  	v3 =	vsub.f32 $0.0e+00, v3;
	v11 =	vshll.u32 v14, $0x1;
	v9 =	vld [tilespmem:s16+$0x0];
	v6 =	vshll.u32 v6, $0x1;
	[tilespmem:s17+$0xFFFFFFE0] =	vst v7;
	v7 =	vpop (erf)  }
0x60: {  	v2 =	vsub.f32 $0.0e+00, v2;
	v13 =	vshll.u32 v13, $0x1;
	v14 =	vld [tilespmem:s16+$0x10];
	v6 =	vor.u32 $0x1, v6;
	[tilespmem:s17+$0xFFFFFFF0] =	vst v7;
	v7 =	vpop (erf)  }
0x61: {  	v1 =	vsub.f32 $0.0e+00, v1;
	v13 =	vor.u32 $0x1, v13;
	v12 =	vshll.u32 v12, $0x1;
	v16 =	vld [tilespmem:s16+$0x20];
	[tilespmem:s17+$0x0] =	vst v7;
	v7 =	vpop (erf)  }
0x62: {  	v5 =	vmul.f32 $1.442695020e+00, v5;
	v17 =	vld [tilespmem:s19+$0xFFFFFFD0];
	v12 =	vor.u32 $0x1, v12;
	v15 =	vshll.u32 v15, $0x1;
	[tilespmem:s17+$0x10] =	vst v7;
	v7 =	vpop (erf)  }
0x63: {  	v4 =	vmul.f32 $1.442695020e+00, v4;
	v18 =	vld [tilespmem:s19+$0xFFFFFFE0];
	v15 =	vor.u32 $0x1, v15;
	v8 =	vshll.u32 v8, $0x1;
	[tilespmem:s17+$0x20] =	vst v7  }
0x64: {  	v3 =	vmul.f32 $1.442695020e+00, v3;
	v7 =	vor.u32 $0x1, v8;
	v8 =	vshll.u32 v9, $0x1;
	v9 =	vld.idx.msk [tilespmem:v11+s3+$0x0], $0xffff  }
0x65: {  	v2 =	vmul.f32 $1.442695020e+00, v2;
	v8 =	vor.u32 $0x1, v8;
	v11 =	vshll.u32 v14, $0x1;
	v6 =	vld.idx.msk [tilespmem:v6+s3+$0x0], $0xffff  }
0x66: {  	v1 =	vmul.f32 $1.442695020e+00, v1;
	s17 =	sadd.s32 $0x80, s17;
	v14 =	vld [tilespmem:s19+$0xFFFFFFF0];
	v11 =	vor.u32 $0x1, v11;
	v16 =	vshll.u32 v16, $0x1;
	v19 =	vpop (erf)  }
0x67: {  	v17 =	vshll.u32 v17, $0x1;
	v20 =	vld [tilespmem:s19+$0x0];
	v16 =	vor.u32 $0x1, v16;
	[tilespmem:s17+$0x30] =	vst v19;
	(erf) = vpow2.f32 v0  }
0x68: {  	v18 =	vshll.u32 v18, $0x1;
	v19 =	vld [tilespmem:s19+$0x10];
	(erf) = vpow2.f32 v10  }
0x69: {  	v10 =	vld [tilespmem:s19+$0x20];
	(erf) = vpow2.f32 v5  }
0x6a: {  	v21 =	vld [tilespmem:s19+$0xFFFFFFC0];
	(erf) = vpow2.f32 v4  }
0x6b: {  	v4 =	vadd.f32 v6, v9;
	v0 =	vld.idx.msk [tilespmem:v13+s3+$0x0], $0xffff;
	v13 =	vshll.u32 v14, $0x1;
	(erf) = vpow2.f32 v3  }
0x6c: {  	v9 =	vld.idx.msk [tilespmem:v12+s3+$0x0], $0xffff;
	v12 =	vshll.u32 v20, $0x1;
	(erf) = vpow2.f32 v2  }
0x6d: {  	v2 =	vsub.f32 $0.0e+00, v4;
	v5 =	vld.idx.msk [tilespmem:v15+s3+$0x0], $0xffff;
	v14 =	vshll.u32 v19, $0x1;
	(erf) = vpow2.f32 v1  }
0x6e: {  	v4 =	vld.idx.msk [tilespmem:v7+s3+$0x0], $0xffff;
	v15 =	vshll.u32 v10, $0x1  }
0x6f: {  	v7 =	vshll.u32 v21, $0x1;
	v3 =	vld.idx.msk [tilespmem:v8+s3+$0x0], $0xffff;
	v21 =	vmul.f32 $1.442695020e+00, v2  }
0x70: {  	v2 =	vld.idx.msk [tilespmem:v11+s3+$0x0], $0xffff;
	v8 =	vpop (erf)  }
0x71: {  	v1 =	vld.idx.msk [tilespmem:v16+s3+$0x0], $0xffff;
	(erf) = vpow2.f32 v21;
	v19 =	vadd.f32 $1.000000000e+00, v8;
	v6 =	vpop (erf)  }
0x72: {  	v16 =	vld.idx.msk [tilespmem:v17+s3+$0x0], $0xffff;
	v20 =	vadd.f32 $1.000000000e+00, v6;
	v10 =	vpop (erf)  }
0x73: {  	v6 =	vld.idx.msk [tilespmem:v18+s3+$0x0], $0xffff;
	v17 =	vadd.f32 $1.000000000e+00, v10;
	(erf) = vrcp.f32 v19;
	v8 =	vpop (erf)  }
.Ltmp0:
0x74: {  	v10 =	vld.idx.msk [tilespmem:v7+s3+$0x0], $0xffff;
	v18 =	vadd.f32 $1.000000000e+00, v8;
	(erf) = vrcp.f32 v20;
	v7 =	vpop (erf);
	(pc) =	sbr.rel @p0 .LBB2_2-.Ltmp0, $4  }
0x75: {  	v8 =	vld.idx.msk [tilespmem:v13+s3+$0x0], $0xffff;
	v13 =	vadd.f32 $1.000000000e+00, v7;
	(erf) = vrcp.f32 v17;
	v11 =	vpop (erf)  }
0x76: {  	v7 =	vld.idx.msk [tilespmem:v12+s3+$0x0], $0xffff;
	v17 =	vadd.f32 $1.000000000e+00, v11;
	(erf) = vrcp.f32 v18;
	v12 =	vpop (erf)  }
0x77: {  	v11 =	vld.idx.msk [tilespmem:v14+s3+$0x0], $0xffff;
	v12 =	vadd.f32 $1.000000000e+00, v12;
	(erf) = vrcp.f32 v13  }
0x78: {  	s19 =	sadd.s32 $0x80, s19;
	v13 =	vadd.f32 v9, v16;
	v9 =	vld.idx.msk [tilespmem:v15+s3+$0x0], $0xffff;
	(erf) = vrcp.f32 v17  }
0x79: {  	v0 =	vadd.f32 v0, v10  }
0x7a: {  	v5 =	vadd.f32 v5, v6;
	v6 =	vsub.f32 $0.0e+00, v13  }
0x7b: {  	v10 =	vpop (erf);
	v4 =	vadd.f32 v4, v8;
	v0 =	vsub.f32 $0.0e+00, v0  }
0x7c: {  	(erf) = vrcp.f32 v12;
	v8 =	vadd.f32 $1.000000000e+00, v10;
	v3 =	vadd.f32 v3, v7  }
0x7d: {  	v5 =	vsub.f32 $0.0e+00, v5;
	v6 =	vmul.f32 $1.442695020e+00, v6;
	v0 =	vmul.f32 $1.442695020e+00, v0  }
0x7e: {  	v2 =	vadd.f32 v2, v11;
	v4 =	vsub.f32 $0.0e+00, v4;
	(erf) = vrcp.f32 v8  }
0x7f: {  	v1 =	vadd.f32 v1, v9;
	v3 =	vsub.f32 $0.0e+00, v3;
	v5 =	vmul.f32 $1.442695020e+00, v5  }
0x80: {  	v2 =	vsub.f32 $0.0e+00, v2;
	v4 =	vmul.f32 $1.442695020e+00, v4;
	(erf) = vpow2.f32 v0  }
0x81: {  	v1 =	vsub.f32 $0.0e+00, v1;
	v3 =	vmul.f32 $1.442695020e+00, v3;
	v0 =	vpop (erf)  }
0x82: {  	v2 =	vmul.f32 $1.442695020e+00, v2;
	(erf) = vpow2.f32 v6;
	v6 =	vpop (erf)  }
0x83: {  	v1 =	vmul.f32 $1.442695020e+00, v1;
	(erf) = vpow2.f32 v5;
	v5 =	vpop (erf)  }
0x84: {  	(erf) = vpow2.f32 v4;
	v4 =	vpop (erf)  }
0x85: {  	(erf) = vpow2.f32 v3;
	v3 =	vpop (erf)  }
0x86: {  	(erf) = vpow2.f32 v2;
	v2 =	vpop (erf)  }
0x87: {  	(erf) = vpow2.f32 v1;
	v1 =	vpop (erf)  }
0x88: {  	v7 =	vpop (erf)  }
0x89: {  	v8 =	vpop (erf)  }
0x8a: {  	v8 =	vadd.f32 $1.000000000e+00, v8;
	_ =	sdelay $0x1  }
0x8b: {  	v9 =	vpop (erf)  }
0x8c: {  	v9 =	vadd.f32 $1.000000000e+00, v9;
	v10 =	vpop (erf)  }
0x8d: {  	(erf) = vrcp.f32 v8;
	v8 =	vpop (erf)  }
0x8e: {  	v8 =	vadd.f32 $1.000000000e+00, v8  }
0x8f: {  	v10 =	vadd.f32 $1.000000000e+00, v10  }
0x90: {  	(erf) = vrcp.f32 v9;
	v9 =	vpop (erf)  }
0x91: {  	[tilespmem:s17+$0xFFFFFFC0] =	vst v0;
	(erf) = vrcp.f32 v10;
	v0 =	vadd.f32 $1.000000000e+00, v9;
	v9 =	vpop (erf)  }
0x92: {  	[tilespmem:s17+$0xFFFFFFD0] =	vst v6;
	v6 =	vadd.f32 $1.000000000e+00, v9;
	(erf) = vrcp.f32 v8;
	v8 =	vpop (erf)  }
0x93: {  	[tilespmem:s17+$0xFFFFFFE0] =	vst v5;
	(erf) = vrcp.f32 v0;
	v5 =	vadd.f32 $1.000000000e+00, v8  }
0x94: {  	[tilespmem:s17+$0xFFFFFFF0] =	vst v4;
	(erf) = vrcp.f32 v6  }
0x95: {  	[tilespmem:s17+$0x0] =	vst v3;
	(erf) = vrcp.f32 v5  }
0x96: {  	[tilespmem:s17+$0x10] =	vst v2  }
0x97: {  	s16 =	sadd.s32 $0x80, s17;
	[tilespmem:s17+$0x20] =	vst v1  }
0x98: {  	[tilespmem:s16+$0x30] =	vst v7;
	v0 =	vpop (erf)  }
0x99: {  	[tilespmem:s16+$0xFFFFFFC0] =	vst v0;
	v0 =	vpop (erf)  }
0x9a: {  	[tilespmem:s16+$0xFFFFFFD0] =	vst v0;
	v0 =	vpop (erf)  }
0x9b: {  	[tilespmem:s16+$0xFFFFFFE0] =	vst v0;
	v0 =	vpop (erf)  }
0x9c: {  	[tilespmem:s16+$0xFFFFFFF0] =	vst v0;
	v0 =	vpop (erf)  }
0x9d: {  	[tilespmem:s16+$0x0] =	vst v0;
	v0 =	vpop (erf)  }
0x9e: {  	[tilespmem:s16+$0x10] =	vst v0;
	v0 =	vpop (erf)  }
0x9f: {  	s29 =	simm.s32 $0x6270;
	[tilespmem:s16+$0x20] =	vst v0  }
0xa0: {  	[hbm4b:s6+s3] =	stream.linear.scatter [tilespmem:s12], [sflag:$0x1], $0x1380, $0x38;
	[tilespmem:$0xC500] =	vst v63  }
0xa1: {  	s30 =	simm.s32 $0x89F0;
	v0 =	vld [tilespmem:s29+$0x0]  }
0xa2: {  	v1 =	vld [tilespmem:s30+$0x0]  }
0xa3: {  	v2 =	vld [tilespmem:s30+$0xFFFFFF90]  }
0xa4: {  	v3 =	vld [tilespmem:s30+$0xFFFFFFA0]  }
0xa5: {  	v4 =	vld [tilespmem:s30+$0xFFFFFFB0]  }
0xa6: {  	v5 =	vld [tilespmem:s30+$0xFFFFFFC0]  }
0xa7: {  	v6 =	vld [tilespmem:s30+$0xFFFFFFD0]  }
0xa8: {  	v7 =	vld [tilespmem:s30+$0xFFFFFFE0]  }
0xa9: {  	v8 =	vld [tilespmem:s30+$0xFFFFFFF0]  }
0xaa: {  	v9 =	vld [tilespmem:s29+$0xFFFFFFA0]  }
0xab: {  	v10 =	vld [tilespmem:s29+$0xFFFFFFB0];
	v0 =	vshll.u32 v0, $0x1;
	v1 =	vshll.u32 v1, $0x1  }
0xac: {  	v11 =	vld [tilespmem:s29+$0xFFFFFFC0];
	v1 =	vor.u32 $0x1, v1  }
0xad: {  	v12 =	vld [tilespmem:s29+$0xFFFFFFD0]  }
0xae: {  	v13 =	vld [tilespmem:s29+$0xFFFFFFE0]  }
0xaf: {  	v15 =	vld [tilespmem:s29+$0xFFFFFF90]  }
0xb0: {  	v9 =	vshll.u32 v9, $0x1;
	v0 =	vld.idx.msk [tilespmem:v0+s3+$0x0], $0xffff  }
0xb1: {  	v2 =	vshll.u32 v2, $0x1;
	v10 =	vshll.u32 v10, $0x1;
	v1 =	vld.idx.msk [tilespmem:v1+s3+$0x0], $0xffff  }
0xb2: {  	s16 =	simm.s32 $0x8A70;
	v14 =	vld [tilespmem:s29+$0xFFFFFFF0];
	v3 =	vshll.u32 v3, $0x1;
	v2 =	vor.u32 $0x1, v2  }
0xb3: {  	v16 =	vld [tilespmem:s16+$0xFFFFFF90];
	v4 =	vshll.u32 v4, $0x1;
	v3 =	vor.u32 $0x1, v3  }
0xb4: {  	v17 =	vld [tilespmem:s16+$0xFFFFFFD0];
	v4 =	vor.u32 $0x1, v4  }
0xb5: {  	v9 =	vld.idx.msk [tilespmem:v9+s3+$0x0], $0xffff  }
0xb6: {  	v10 =	vld.idx.msk [tilespmem:v10+s3+$0x0], $0xffff;
	v0 =	vadd.f32 v1, v0;
	v1 =	vshll.u32 v15, $0x1  }
0xb7: {  	v11 =	vshll.u32 v11, $0x1;
	v2 =	vld.idx.msk [tilespmem:v2+s3+$0x0], $0xffff  }
0xb8: {  	v12 =	vshll.u32 v12, $0x1;
	v3 =	vld.idx.msk [tilespmem:v3+s3+$0x0], $0xffff;
	v0 =	vsub.f32 $0.0e+00, v0  }
0xb9: {  	v13 =	vshll.u32 v13, $0x1;
	v4 =	vld.idx.msk [tilespmem:v4+s3+$0x0], $0xffff  }
0xba: {  	v14 =	vshll.u32 v14, $0x1;
	v15 =	vld [tilespmem:s16+$0x0];
	v0 =	vmul.f32 $1.442695020e+00, v0  }
0xbb: {  	v5 =	vshll.u32 v5, $0x1;
	v1 =	vld.idx.msk [tilespmem:v1+s3+$0x0], $0xffff  }
0xbc: {  	v6 =	vshll.u32 v6, $0x1;
	v5 =	vor.u32 $0x1, v5;
	(erf) = vpow2.f32 v0;
	v0 =	vld.idx.msk [tilespmem:v11+s3+$0x0], $0xffff  }
0xbd: {  	v7 =	vshll.u32 v7, $0x1;
	v6 =	vor.u32 $0x1, v6;
	v11 =	vld.idx.msk [tilespmem:v12+s3+$0x0], $0xffff  }
0xbe: {  	v8 =	vshll.u32 v8, $0x1;
	v7 =	vor.u32 $0x1, v7;
	v12 =	vld.idx.msk [tilespmem:v13+s3+$0x0], $0xffff  }
0xbf: {  	s31 =	simm.s32 $0x62F0;
	v8 =	vor.u32 $0x1, v8;
	v13 =	vld.idx.msk [tilespmem:v14+s3+$0x0], $0xffff  }
0xc0: {  	v14 =	vld [tilespmem:s31+$0x0]  }
0xc1: {  	v5 =	vld.idx.msk [tilespmem:v5+s3+$0x0], $0xffff  }
0xc2: {  	v6 =	vld.idx.msk [tilespmem:v6+s3+$0x0], $0xffff  }
0xc3: {  	v7 =	vld.idx.msk [tilespmem:v7+s3+$0x0], $0xffff;
	v3 =	vadd.f32 v3, v9;
	v15 =	vshll.u32 v15, $0x1  }
0xc4: {  	v8 =	vld.idx.msk [tilespmem:v8+s3+$0x0], $0xffff;
	v4 =	vadd.f32 v4, v10;
	v15 =	vor.u32 $0x1, v15  }
0xc5: {  	v58 =	vld [tilespmem:s31+$0xFFFFFFB0];
	v3 =	vsub.f32 $0.0e+00, v3;
	v1 =	vadd.f32 v2, v1;
	v14 =	vshll.u32 v14, $0x1  }
0xc6: {  	v4 =	vsub.f32 $0.0e+00, v4;
	v2 =	vld [tilespmem:s16+$0xFFFFFFB0];
	v0 =	vadd.f32 v5, v0  }
0xc7: {  	v5 =	vld [tilespmem:s16+$0xFFFFFFC0];
	v6 =	vadd.f32 v6, v11;
	v1 =	vsub.f32 $0.0e+00, v1;
	v10 =	vpop (erf)  }
0xc8: {  	v3 =	vmul.f32 $1.442695020e+00, v3;
	v11 =	vld [tilespmem:s16+$0xFFFFFFE0];
	v7 =	vadd.f32 v7, v12;
	v10 =	vadd.f32 $1.000000000e+00, v10  }
0xc9: {  	v8 =	vadd.f32 v8, v13;
	v13 =	vshll.u32 v16, $0x1;
	v15 =	vld.idx.msk [tilespmem:v15+s3+$0x0], $0xffff;
	v1 =	vmul.f32 $1.442695020e+00, v1  }
0xca: {  	v13 =	vor.u32 $0x1, v13;
	v0 =	vsub.f32 $0.0e+00, v0;
	v14 =	vld.idx.msk [tilespmem:v14+s3+$0x0], $0xffff;
	(erf) = vrcp.f32 v10  }
0xcb: {  	v18 =	vld [tilespmem:s31+$0xFFFFFFC0];
	v4 =	vmul.f32 $1.442695020e+00, v4;
	v6 =	vsub.f32 $0.0e+00, v6;
	(erf) = vpow2.f32 v1  }
0xcc: {  	v12 =	vld [tilespmem:s16+$0xFFFFFFF0];
	v7 =	vsub.f32 $0.0e+00, v7;
	v2 =	vshll.u32 v2, $0x1;
	v0 =	vmul.f32 $1.442695020e+00, v0  }
0xcd: {  	v9 =	vld [tilespmem:s16+$0xFFFFFFA0];
	v2 =	vor.u32 $0x1, v2;
	v5 =	vshll.u32 v5, $0x1;
	(erf) = vpow2.f32 v3  }
0xce: {  	v10 =	vld [tilespmem:s31+$0xFFFFFFA0];
	v3 =	vshll.u32 v11, $0x1;
	(erf) = vpow2.f32 v4;
	v4 =	vmul.f32 $1.442695020e+00, v7  }
0xcf: {  	v7 =	vor.u32 $0x1, v3;
	(erf) = vpow2.f32 v0;
	v0 =	vld.idx.msk [tilespmem:v13+s3+$0x0], $0xffff;
	v13 =	vadd.f32 v15, v14  }
0xd0: {  	v20 =	vld [tilespmem:s31+$0xFFFFFFD0];
	v19 =	vor.u32 $0x1, v5;
	v5 =	vmul.f32 $1.442695020e+00, v6;
	v1 =	vshll.u32 v17, $0x1  }
0xd1: {  	v8 =	vsub.f32 $0.0e+00, v8;
	v12 =	vshll.u32 v12, $0x1;
	v1 =	vor.u32 $0x1, v1;
	v3 =	vld [tilespmem:s31+$0xFFFFFF90]  }
0xd2: {  	v12 =	vor.u32 $0x1, v12;
	(erf) = vpow2.f32 v5;
	v5 =	vld.idx.msk [tilespmem:v2+s3+$0x0], $0xffff;
	v2 =	vsub.f32 $0.0e+00, v13  }
0xd3: {  	v9 =	vshll.u32 v9, $0x1;
	v8 =	vmul.f32 $1.442695020e+00, v8;
	v11 =	vld [tilespmem:s31+$0xFFFFFFF0];
	v10 =	vshll.u32 v10, $0x1;
	v13 =	vpop (erf)  }
0xd4: {  	v9 =	vor.u32 $0x1, v9;
	(erf) = vpow2.f32 v4;
	v59 =	vmul.f32 $1.442695020e+00, v2;
	v2 =	vld.idx.msk [tilespmem:v7+s3+$0x0], $0xffff;
	v7 =	vpop (erf)  }
0xd5: {  	v6 =	vld [tilespmem:s31+$0xFFFFFFE0];
	v14 =	vshll.u32 v58, $0x1;
	(erf) = vpow2.f32 v8;
	v7 =	vadd.f32 $1.000000000e+00, v7  }
0xd6: {  	v8 =	vshll.u32 v3, $0x1;
	v3 =	vld.idx.msk [tilespmem:v1+s3+$0x0], $0xffff  }
0xd7: {  	v1 =	vld.idx.msk [tilespmem:v12+s3+$0x0], $0xffff;
	v12 =	vpop (erf)  }
0xd8: {  	v60 =	vshll.u32 v20, $0x1;
	v15 =	vshll.u32 v18, $0x1;
	(erf) = vpow2.f32 v59;
	v62 =	vld.idx.msk [tilespmem:v10+s3+$0x0], $0xffff;
	v10 =	vpop (erf)  }
0xd9: {  	v9 =	vld.idx.msk [tilespmem:v9+s3+$0x0], $0xffff;
	v63 =	vshll.u32 v11, $0x1;
	v11 =	vadd.f32 $1.000000000e+00, v10;
	(erf) = vrcp.f32 v7;
	v7 =	vpop (erf)  }
0xda: {  	v61 =	vshll.u32 v6, $0x1;
	v6 =	vld.idx.msk [tilespmem:v14+s3+$0x0], $0xffff;
	v12 =	vadd.f32 $1.000000000e+00, v12;
	v14 =	vadd.f32 $1.000000000e+00, v7  }
0xdb: {  	v4 =	vld.idx.msk [tilespmem:v19+s3+$0x0], $0xffff  }
0xdc: {  	v10 =	vld.idx.msk [tilespmem:v8+s3+$0x0], $0xffff;
	(erf) = vrcp.f32 v12;
	v7 =	vpop (erf)  }
0xdd: {  	s17 =	simm.s32 $0xB170;
	v8 =	vld.idx.msk [tilespmem:v15+s3+$0x0], $0xffff;
	(erf) = vrcp.f32 v11;
	v12 =	vadd.f32 $1.000000000e+00, v7;
	v11 =	vpop (erf)  }
0xde: {  	[tilespmem:s17+$0x0] =	vst v13;
	v13 =	vadd.f32 v9, v62;
	v9 =	vld.idx.msk [tilespmem:v63+s3+$0x0], $0xffff;
	v15 =	vadd.f32 $1.000000000e+00, v11;
	(erf) = vrcp.f32 v14;
	v14 =	vpop (erf)  }
0xdf: {  	v7 =	vld.idx.msk [tilespmem:v60+s3+$0x0], $0xffff;
	(erf) = vrcp.f32 v12;
	v12 =	vadd.f32 $1.000000000e+00, v14  }
0xe0: {  	s18 =	simm.s32 $0x1400;
	s19 =	simm.s32 $0x6370;
	v11 =	vld.idx.msk [tilespmem:v61+s3+$0x0], $0xffff;
	(erf) = vrcp.f32 v15  }
.LBB2_4:
0xe1: {  	v14 =	vld [tilespmem:s19+$0x0];
	v5 =	vadd.f32 v5, v6;
	s16 =	sadd.s32 $0x80, s16;
	(erf) = vrcp.f32 v12  }
0xe2: {  	s18 =	sadd.s32 $0x80, s18;
	v0 =	vadd.f32 v0, v10;
	v6 =	vld [tilespmem:s16+$0x0];
	v10 =	vsub.f32 $0.0e+00, v13;
	v12 =	vpop (erf)  }
0xe3: {  	p0 =	slt.u32 s18, $0x2680;
	v4 =	vadd.f32 v4, v8;
	v13 =	vld [tilespmem:s16+$0xFFFFFF90];
	v8 =	vadd.f32 $1.000000000e+00, v12  }
0xe4: {  	v0 =	vsub.f32 $0.0e+00, v0;
	v3 =	vadd.f32 v3, v7;
	v12 =	vld [tilespmem:s16+$0xFFFFFFA0];
	v10 =	vmul.f32 $1.442695020e+00, v10;
	v7 =	vpop (erf)  }
0xe5: {  	v5 =	vsub.f32 $0.0e+00, v5;
	v2 =	vadd.f32 v2, v11;
	v15 =	vld [tilespmem:s16+$0xFFFFFFB0];
	(erf) = vrcp.f32 v8;
	[tilespmem:s17+$0xFFFFFF90] =	vst v7;
	v7 =	vpop (erf)  }
0xe6: {  	v4 =	vsub.f32 $0.0e+00, v4;
	v0 =	vmul.f32 $1.442695020e+00, v0;
	v1 =	vadd.f32 v1, v9;
	v8 =	vld [tilespmem:s16+$0xFFFFFFC0];
	[tilespmem:s17+$0xFFFFFFA0] =	vst v7;
	v7 =	vpop (erf)  }
0xe7: {  	v3 =	vsub.f32 $0.0e+00, v3;
	v11 =	vshll.u32 v14, $0x1;
	v9 =	vld [tilespmem:s16+$0xFFFFFFD0];
	v6 =	vshll.u32 v6, $0x1;
	[tilespmem:s17+$0xFFFFFFB0] =	vst v7;
	v7 =	vpop (erf)  }
0xe8: {  	v2 =	vsub.f32 $0.0e+00, v2;
	v13 =	vshll.u32 v13, $0x1;
	v14 =	vld [tilespmem:s16+$0xFFFFFFE0];
	v6 =	vor.u32 $0x1, v6;
	[tilespmem:s17+$0xFFFFFFC0] =	vst v7;
	v7 =	vpop (erf)  }
0xe9: {  	v1 =	vsub.f32 $0.0e+00, v1;
	v13 =	vor.u32 $0x1, v13;
	v12 =	vshll.u32 v12, $0x1;
	v16 =	vld [tilespmem:s16+$0xFFFFFFF0];
	[tilespmem:s17+$0xFFFFFFD0] =	vst v7;
	v7 =	vpop (erf)  }
0xea: {  	v5 =	vmul.f32 $1.442695020e+00, v5;
	v17 =	vld [tilespmem:s19+$0xFFFFFFA0];
	v12 =	vor.u32 $0x1, v12;
	v15 =	vshll.u32 v15, $0x1;
	[tilespmem:s17+$0xFFFFFFE0] =	vst v7;
	v7 =	vpop (erf)  }
0xeb: {  	v4 =	vmul.f32 $1.442695020e+00, v4;
	v18 =	vld [tilespmem:s19+$0xFFFFFFB0];
	v15 =	vor.u32 $0x1, v15;
	v8 =	vshll.u32 v8, $0x1;
	[tilespmem:s17+$0xFFFFFFF0] =	vst v7  }
0xec: {  	v3 =	vmul.f32 $1.442695020e+00, v3;
	v7 =	vor.u32 $0x1, v8;
	v8 =	vshll.u32 v9, $0x1;
	v9 =	vld.idx.msk [tilespmem:v11+s3+$0x0], $0xffff  }
0xed: {  	v2 =	vmul.f32 $1.442695020e+00, v2;
	v8 =	vor.u32 $0x1, v8;
	v11 =	vshll.u32 v14, $0x1;
	v6 =	vld.idx.msk [tilespmem:v6+s3+$0x0], $0xffff  }
0xee: {  	v1 =	vmul.f32 $1.442695020e+00, v1;
	s17 =	sadd.s32 $0x80, s17;
	v14 =	vld [tilespmem:s19+$0xFFFFFFC0];
	v11 =	vor.u32 $0x1, v11;
	v16 =	vshll.u32 v16, $0x1;
	v19 =	vpop (erf)  }
0xef: {  	v17 =	vshll.u32 v17, $0x1;
	v20 =	vld [tilespmem:s19+$0xFFFFFFD0];
	v16 =	vor.u32 $0x1, v16;
	[tilespmem:s17+$0x0] =	vst v19;
	(erf) = vpow2.f32 v0  }
0xf0: {  	v18 =	vshll.u32 v18, $0x1;
	v19 =	vld [tilespmem:s19+$0xFFFFFFE0];
	(erf) = vpow2.f32 v10  }
0xf1: {  	v10 =	vld [tilespmem:s19+$0xFFFFFFF0];
	(erf) = vpow2.f32 v5  }
0xf2: {  	v21 =	vld [tilespmem:s19+$0xFFFFFF90];
	(erf) = vpow2.f32 v4  }
0xf3: {  	v4 =	vadd.f32 v6, v9;
	v0 =	vld.idx.msk [tilespmem:v13+s3+$0x0], $0xffff;
	v13 =	vshll.u32 v14, $0x1;
	(erf) = vpow2.f32 v3  }
0xf4: {  	v9 =	vld.idx.msk [tilespmem:v12+s3+$0x0], $0xffff;
	v12 =	vshll.u32 v20, $0x1;
	(erf) = vpow2.f32 v2  }
0xf5: {  	v2 =	vsub.f32 $0.0e+00, v4;
	v5 =	vld.idx.msk [tilespmem:v15+s3+$0x0], $0xffff;
	v14 =	vshll.u32 v19, $0x1;
	(erf) = vpow2.f32 v1  }
0xf6: {  	v4 =	vld.idx.msk [tilespmem:v7+s3+$0x0], $0xffff;
	v15 =	vshll.u32 v10, $0x1  }
0xf7: {  	v7 =	vshll.u32 v21, $0x1;
	v3 =	vld.idx.msk [tilespmem:v8+s3+$0x0], $0xffff;
	v21 =	vmul.f32 $1.442695020e+00, v2  }
0xf8: {  	v2 =	vld.idx.msk [tilespmem:v11+s3+$0x0], $0xffff;
	v8 =	vpop (erf)  }
0xf9: {  	v1 =	vld.idx.msk [tilespmem:v16+s3+$0x0], $0xffff;
	(erf) = vpow2.f32 v21;
	v19 =	vadd.f32 $1.000000000e+00, v8;
	v6 =	vpop (erf)  }
0xfa: {  	v16 =	vld.idx.msk [tilespmem:v17+s3+$0x0], $0xffff;
	v20 =	vadd.f32 $1.000000000e+00, v6;
	v10 =	vpop (erf)  }
0xfb: {  	v6 =	vld.idx.msk [tilespmem:v18+s3+$0x0], $0xffff;
	v17 =	vadd.f32 $1.000000000e+00, v10;
	(erf) = vrcp.f32 v19;
	v8 =	vpop (erf)  }
.Ltmp1:
0xfc: {  	v10 =	vld.idx.msk [tilespmem:v7+s3+$0x0], $0xffff;
	v18 =	vadd.f32 $1.000000000e+00, v8;
	(erf) = vrcp.f32 v20;
	v7 =	vpop (erf);
	(pc) =	sbr.rel @p0 .LBB2_4-.Ltmp1, $4  }
0xfd: {  	v8 =	vld.idx.msk [tilespmem:v13+s3+$0x0], $0xffff;
	v13 =	vadd.f32 $1.000000000e+00, v7;
	(erf) = vrcp.f32 v17;
	v11 =	vpop (erf)  }
0xfe: {  	v7 =	vld.idx.msk [tilespmem:v12+s3+$0x0], $0xffff;
	v17 =	vadd.f32 $1.000000000e+00, v11;
	(erf) = vrcp.f32 v18;
	v12 =	vpop (erf)  }
0xff: {  	v11 =	vld.idx.msk [tilespmem:v14+s3+$0x0], $0xffff;
	v12 =	vadd.f32 $1.000000000e+00, v12;
	(erf) = vrcp.f32 v13  }
0x100: {  	s19 =	sadd.s32 $0x80, s19;
	v13 =	vadd.f32 v9, v16;
	v9 =	vld.idx.msk [tilespmem:v15+s3+$0x0], $0xffff;
	(erf) = vrcp.f32 v17  }
0x101: {  	v0 =	vadd.f32 v0, v10;
	v5 =	vadd.f32 v5, v6  }
0x102: {  	v36 =	vsub.f32 $0.0e+00, v13;
	v37 =	vpop (erf);
	v4 =	vadd.f32 v4, v8  }
0x103: {  	v0 =	vsub.f32 $0.0e+00, v0;
	v38 =	vadd.f32 $1.000000000e+00, v37  }
0x104: {  	(erf) = vrcp.f32 v12;
	v3 =	vadd.f32 v3, v7;
	v5 =	vsub.f32 $0.0e+00, v5  }
0x105: {  	v6 =	vmul.f32 $1.442695020e+00, v36;
	v2 =	vadd.f32 v2, v11;
	v0 =	vmul.f32 $1.442695020e+00, v0  }
0x106: {  	v4 =	vsub.f32 $0.0e+00, v4;
	(erf) = vrcp.f32 v38;
	v1 =	vadd.f32 v1, v9  }
0x107: {  	v3 =	vsub.f32 $0.0e+00, v3;
	v5 =	vmul.f32 $1.442695020e+00, v5;
	(erf) = vpow2.f32 v0  }
0x108: {  	v39 =	vpop (erf);
	v2 =	vsub.f32 $0.0e+00, v2;
	v4 =	vmul.f32 $1.442695020e+00, v4;
	(erf) = vpow2.f32 v6  }
0x109: {  	v40 =	vpop (erf);
	v1 =	vsub.f32 $0.0e+00, v1;
	v3 =	vmul.f32 $1.442695020e+00, v3;
	(erf) = vpow2.f32 v5  }
0x10a: {  	v41 =	vpop (erf);
	v2 =	vmul.f32 $1.442695020e+00, v2;
	(erf) = vpow2.f32 v4  }
0x10b: {  	v42 =	vpop (erf);
	v1 =	vmul.f32 $1.442695020e+00, v1;
	(erf) = vpow2.f32 v3  }
0x10c: {  	v43 =	vpop (erf);
	(erf) = vpow2.f32 v2  }
0x10d: {  	v44 =	vpop (erf);
	(erf) = vpow2.f32 v1  }
0x10e: {  	v45 =	vpop (erf)  }
0x10f: {  	v46 =	vpop (erf)  }
0x110: {  	v47 =	vpop (erf)  }
0x111: {  	v8 =	vadd.f32 $1.000000000e+00, v47;
	v48 =	vpop (erf)  }
0x112: {  	v9 =	vadd.f32 $1.000000000e+00, v48;
	v49 =	vpop (erf)  }
0x113: {  	v10 =	vadd.f32 $1.000000000e+00, v49;
	(erf) = vrcp.f32 v8;
	v50 =	vpop (erf)  }
0x114: {  	v8 =	vadd.f32 $1.000000000e+00, v50;
	(erf) = vrcp.f32 v9;
	v51 =	vpop (erf)  }
0x115: {  	[tilespmem:s17+$0xFFFFFF90] =	vst v39;
	v52 =	vadd.f32 $1.000000000e+00, v51;
	(erf) = vrcp.f32 v10;
	v53 =	vpop (erf)  }
0x116: {  	[tilespmem:s17+$0xFFFFFFA0] =	vst v40;
	v54 =	vadd.f32 $1.000000000e+00, v53;
	(erf) = vrcp.f32 v8;
	v55 =	vpop (erf)  }
0x117: {  	[tilespmem:s17+$0xFFFFFFB0] =	vst v41;
	v56 =	vadd.f32 $1.000000000e+00, v55;
	(erf) = vrcp.f32 v52  }
0x118: {  	[tilespmem:s17+$0xFFFFFFC0] =	vst v42;
	(erf) = vrcp.f32 v54  }
0x119: {  	[tilespmem:s17+$0xFFFFFFD0] =	vst v43;
	(erf) = vrcp.f32 v56  }
0x11a: {  	[tilespmem:s17+$0xFFFFFFE0] =	vst v44  }
0x11b: {  	s16 =	sadd.s32 $0x80, s17;
	[tilespmem:s17+$0xFFFFFFF0] =	vst v45  }
0x11c: {  	[tilespmem:s16+$0x0] =	vst v46;
	v57 =	vpop (erf)  }
0x11d: {  	[tilespmem:s16+$0xFFFFFF90] =	vst v57;
	v58 =	vpop (erf)  }
0x11e: {  	[tilespmem:s16+$0xFFFFFFA0] =	vst v58;
	v59 =	vpop (erf)  }
0x11f: {  	[tilespmem:s16+$0xFFFFFFB0] =	vst v59;
	v60 =	vpop (erf)  }
0x120: {  	[tilespmem:s16+$0xFFFFFFC0] =	vst v60;
	v61 =	vpop (erf)  }
0x121: {  	[tilespmem:s16+$0xFFFFFFD0] =	vst v61;
	v62 =	vpop (erf)  }
0x122: {  	[tilespmem:s16+$0xFFFFFFE0] =	vst v62;
	v63 =	vpop (erf)  }
0x123: {  	[tilespmem:s16+$0xFFFFFFF0] =	vst v63  }
0x124: {  	v0 =	vld [tilespmem:$0x7580]  }
0x125: {  	v1 =	vld [tilespmem:$0x9D00];
	_ =	sdelay $0x4  }
0x126: {  	v0 =	vshll.u32 v0, $0x1;
	v1 =	vshll.u32 v1, $0x1  }
0x127: {  	v1 =	vor.u32 $0x1, v1;
	_ =	sdelay $0x3  }
0x128: {  	v0 =	vld.idx.msk [tilespmem:v0+s3+$0x0], $0xffff  }
0x129: {  	v1 =	vld.idx.msk [tilespmem:v1+s3+$0x0], $0xffff;
	_ =	sdelay $0x4  }
0x12a: {  	v0 =	vadd.f32 v1, v0;
	_ =	sdelay $0x1  }
0x12b: {  	v0 =	vsub.f32 $0.0e+00, v0;
	_ =	sdelay $0x1  }
0x12c: {  	v0 =	vmul.f32 $1.442695020e+00, v0;
	_ =	sdelay $0x1  }
0x12d: {  	(erf) = vpow2.f32 v0;
	_ =	sdelay $0x8  }
0x12e: {  	v0 =	vpop (erf)  }
0x12f: {  	v0 =	vadd.f32 $1.000000000e+00, v0;
	_ =	sdelay $0x1  }
0x130: {  	(erf) = vrcp.f32 v0;
	_ =	sdelay $0x8  }
0x131: {  	v0 =	vpop (erf)  }
0x132: {  	[tilespmem:$0xC480] =	vst v0  }
0x133: {  	s15 =	sadd.s32 $0x1, s15;
	_ =	swait.ge [sflag:s11], $0x1380  }
0x134: {  	p0 =	sne.s32 s15, s8;
	[sflag:s11] =	ssyncset.done $0x0  }
.Ltmp2:
0x135: {  	[sflag:s11] =	ssyncadd.s32 $0xFFFFEC80;
	(pc) =	sbr.rel @p0 .LBB2_1-.Ltmp2, $4  }
0x136: {  	[hbm4b:s7+s3] =	stream.linear.scatter [tilespmem:s13], [sflag:$0x2], $0x1390, $0x38;
	[tilespmem:$0xC500] =	vst v63  }
0x137: {  	_ =	swait.ge [sflag:s14], $0x1390  }
0x138: {  	[sflag:s14] =	ssyncset.done $0x0  }
0x139: {  	[sflag:s14] =	ssyncadd.s32 $0xFFFFEC70  }
0x13a: {  	_ =	sfence.sel $0x180000  }
0x13b: {  	[bflag:$0x0] =	sbarrier.arrive $0xFFFF  }
0x13c: {  	p0 =	sne.s32 s0, $0x0;
	_ =	strace $0x90000047  }
0x13d: {  	s0 =	sadd.s32 @!p0 $0x100000, s1;
	[bflag:$0x2] =	sbarrier.arrive $0xFFFF  }
0x13e: {  	[sflag:s0] =	ssyncadd.tile.s32 @!p0 $0x1;
	_ =	shalt  }
.Lfunc_end2:
_tile_overlayer_lowered:
.L_overlay_start_2:
0x13f: {  	(tag) =	ssettag $0x2  }
0x140: {  	s0 =	rddreg [dreg:$0x0];
	s2 =	stileid.u32  }
0x141: {  	s1 =	rddreg [dreg:$0x1];
	p0 =	sne.s32 s2, $0x0  }
0x142: {  	s3 =	rddreg [dreg:$0x2];
	[bflag:$0x3] =	sbarrier.arrive $0xFFFF;
	s2 =	simm.s32 @!p0 $0x1C02  }
0x143: {  	[timem:s3], [sflag:s2] =	dma.local @!p0 [hbm:s0], s1  }
0x144: {  	s0 =	simm.s32 @!p0 $0x2  }
0x145: {  	_ =	swait.ge @!p0 [sflag:s0], s1  }
0x146: {  	s1 =	ssub.s32 @!p0 $0x0, s1;
	[sflag:s0] =	ssyncset.done @!p0 $0x0  }
0x147: {  	[sflag:s0] =	ssyncadd.s32 @!p0 s1  }
0x148: {  	[bflag:$0x3] =	sbarrier.arrive $0xFFFF  }
0x149: {  	_ =	shalt  }

</sc_bundles>
